<compile_context>
chip_gen: v7x
topology: tpu7x:2x2x1
jax: 0.10.2.dev20260603
libtpu: 0.0.44.dev20260713+nightly
codegen_flags: <defaults>
</compile_context>

<pallas_src>
import functools

import jax
import jax.numpy as jnp
from jax import lax
from jax.experimental import pallas as pl
from jax.experimental.pallas import tpu as pltpu
from jax.experimental.pallas import tpu_sc as plsc

NROWS = 128
NCOLS = 32768
K = 25
NC = 2
NS = 16
NW = NC * NS
RPW = NROWS // NW
NCHUNK = 128
CAP = 768
COMPACT_AT = 448
OUTW = 32

_NEG = float("-inf")
_IMAX = 2**31 - 1


def _sortd(x):
    k, _ = plsc.sort_key_val(x, x, descending=True)
    return k


def _merge32(hi, lo, b):
    b0 = _sortd(b)
    m1 = jnp.maximum(lo, lax.rev(b0, (0,)))
    s0 = jnp.maximum(hi, m1)
    s1 = jnp.minimum(hi, m1)
    return _sortd(s0), _sortd(s1)


def _cx(ak, ai, bk, bi):
    c = ak > bk
    return (
        jnp.where(c, ak, bk),
        jnp.where(c, ai, bi),
        jnp.where(c, bk, ak),
        jnp.where(c, bi, ai),
    )


def _make_mesh():
    return plsc.VectorSubcoreMesh(
        core_axis_name="c", subcore_axis_name="s", num_cores=NC, num_subcores=NS
    )


_SCRATCH = [
    pltpu.VMEM((2, NCOLS), jnp.float32),
    pltpu.VMEM((NCHUNK * 16,), jnp.float32),
    pltpu.VMEM((128,), jnp.float32),
    pltpu.VMEM((128,), jnp.int32),
    pltpu.VMEM((2048,), jnp.int32),
    pltpu.VMEM((CAP,), jnp.int32),
    pltpu.VMEM((RPW, OUTW), jnp.int32),
    pltpu.SemaphoreType.DMA,
    pltpu.SemaphoreType.DMA,
]
_OUT_TYPE = jax.ShapeDtypeStruct((NROWS, OUTW), jnp.int32)


def _topk_body(
    t_hbm, out_hbm, rowbuf, mbuf, cbuf, hitc, hitbuf, cand, outbuf, sem0, sem1
):
    iota = lax.iota(jnp.int32, 16)
    negv = jnp.full((16,), _NEG, jnp.float32)
    lane8 = iota == 8
    shift1 = jnp.minimum(iota + 1, 15)

    wid = lax.axis_index("s") * NC + lax.axis_index("c")
    row0 = wid * RPW

    zi = jnp.zeros((16,), jnp.int32)
    for q in range(CAP // 16):
        cand[pl.ds(q * 16, 16)] = zi

    def zhit(q, _):
        hitbuf[pl.ds(q * 16, 16)] = zi
        return 0

    lax.fori_loop(0, 2048 // 16, zhit, 0)
    for q in range(8):
        hitc[pl.ds(q * 16, 16)] = zi

    sems = (sem0, sem1)
    first_copy = pltpu.async_copy(t_hbm.at[row0], rowbuf.at[0], sems[0])

    def rank25(lo):
        return jnp.max(jnp.where(lane8, lo, negv))

    def row_body(ri):
        s = ri % 2

        def drain_and_phase_a(slot):
            def fn(_):
                pltpu.make_async_copy(
                    t_hbm.at[row0], rowbuf.at[slot], sems[slot]
                ).wait()
                def phase_a(c, __):
                    base = c * 256
                    acc = rowbuf[slot, pl.ds(base, 16)]
                    for j in range(1, 16):
                        acc = jnp.maximum(
                            acc, rowbuf[slot, pl.ds(base + j * 16, 16)]
                        )
                    mbuf[pl.ds(c * 16, 16)] = acc
                    nxt = jnp.minimum(row0 + ri + 1, NROWS - 1)
                    pltpu.async_copy(
                        t_hbm.at[nxt, pl.ds(base, 128)],
                        rowbuf.at[1 - slot, pl.ds(base, 128)],
                        sems[1 - slot],
                    )
                    pltpu.async_copy(
                        t_hbm.at[nxt, pl.ds(base + 128, 128)],
                        rowbuf.at[1 - slot, pl.ds(base + 128, 128)],
                        sems[1 - slot],
                    )
                    return 0

                lax.fori_loop(0, NCHUNK, phase_a, 0)
                return 0

            return fn

        lax.cond(s == 0, drain_and_phase_a(0), drain_and_phase_a(1), 0)

        outbuf[ri, pl.ds(0, 16)] = iota
        return

        s_splat = jnp.zeros((16,), jnp.int32) + s

        def gatherv(idxv):
            return plsc.load_gather(rowbuf, [s_splat, idxv])

        def coarse(g, _):
            acc = mbuf[pl.ds(g * 256, 16)]
            for j in range(1, 16):
                acc = jnp.maximum(acc, mbuf[pl.ds(g * 256 + j * 16, 16)])
            cbuf[pl.ds(g * 16, 16)] = acc
            return 0

        lax.fori_loop(0, 8, coarse, 0)

        srt = [_sortd(cbuf[pl.ds(g * 16, 16)]) for g in range(8)]

        def m16(a, b):
            rb = lax.rev(b, (0,))
            return _sortd(jnp.maximum(a, rb)), _sortd(jnp.minimum(a, rb))

        def m32(ah, al, bh, bl):
            m0 = jnp.maximum(ah, lax.rev(bl, (0,)))
            m1 = jnp.maximum(al, lax.rev(bh, (0,)))
            return _sortd(jnp.maximum(m0, m1)), _sortd(jnp.minimum(m0, m1))

        p01 = m16(srt[0], srt[1])
        p23 = m16(srt[2], srt[3])
        p45 = m16(srt[4], srt[5])
        p67 = m16(srt[6], srt[7])
        q03 = m32(*p01, *p23)
        q47 = m32(*p45, *p67)
        _, lo32 = m32(*q03, *q47)
        t0 = rank25(lo32)

        def harvc(g, off):
            m = cbuf[pl.ds(g * 16, 16)] >= t0
            pos = off + plsc.cumsum(m.astype(jnp.int32)) - 1
            plsc.store_scatter(hitc, [pos], g * 16 + iota, mask=m)
            return off + plsc.all_reduce_population_count(m)

        offc1 = lax.fori_loop(0, 8, harvc, jnp.zeros((16,), jnp.int32))
        nch = jnp.max(offc1)

        outbuf[ri, pl.ds(0, 16)] = iota + nch
        outbuf[ri, pl.ds(16, 16)] = iota
        return

        def fineh(hv, off):
            cc = hitc[pl.ds(hv * 16, 16)]
            base2 = (cc >> 4) * 256 + (cc & 15)
            validc = (hv * 16 + iota) < nch
            for i in range(16):
                fcode = base2 + i * 16
                gv = plsc.load_gather(mbuf, [fcode])
                m = (gv >= t0) & validc
                pos = off + plsc.cumsum(m.astype(jnp.int32)) - 1
                plsc.store_scatter(hitbuf, [pos], fcode, mask=m)
                off = off + plsc.all_reduce_population_count(m)
            return off

        nchv = (nch + 15) // 16
        offh = lax.fori_loop(0, nchv, fineh, jnp.zeros((16,), jnp.int32))
        nh = jnp.max(offh)

        def compact(op):
            cnt, _t = op
            nv = (cnt + 15) // 16

            def cstep(vi, carry):
                chi, clo = carry
                idxv = cand[pl.ds(vi * 16, 16)]
                valid = (vi * 16 + iota) < cnt
                v = jnp.where(valid, gatherv(idxv), negv)
                return _merge32(chi, clo, v)

            _, clo = lax.fori_loop(0, nv, cstep, (negv, negv))
            t25 = rank25(clo)

            def refil(vi, off):
                idxv = cand[pl.ds(vi * 16, 16)]
                valid = (vi * 16 + iota) < cnt
                v = jnp.where(valid, gatherv(idxv), negv)
                m = v >= t25
                pos = off + plsc.cumsum(m.astype(jnp.int32)) - 1
                plsc.store_scatter(cand, [pos], idxv, mask=m)
                return off + plsc.all_reduce_population_count(m)

            offv = lax.fori_loop(0, nv, refil, jnp.zeros((16,), jnp.int32))
            return jnp.max(offv), t25

        def phase_b2(hv, carry):
            off, t = carry
            codes = hitbuf[pl.ds(hv * 16, 16)]
            basev = (codes >> 4) * 256 + (codes & 15)
            validg = (hv * 16 + iota) < nh
            for j in range(16):
                idxv = basev + j * 16
                v = gatherv(idxv)
                m = (v >= t) & validg
                pos = off + plsc.cumsum(m.astype(jnp.int32)) - 1
                plsc.store_scatter(cand, [pos], idxv, mask=m)
                off = off + plsc.all_reduce_population_count(m)
            cnt2 = jnp.max(off)
            cnt3, t3 = lax.cond(
                cnt2 > COMPACT_AT, compact, lambda p: p, (cnt2, t)
            )
            return jnp.zeros((16,), jnp.int32) + cnt3, t3

        nhv = (nh + 15) // 16
        offc, t = lax.fori_loop(
            0, nhv, phase_b2, (jnp.zeros((16,), jnp.int32), t0)
        )
        cnt = jnp.max(offc)

        cnt, t = lax.cond(cnt > 48, compact, lambda p: p, (cnt, t))

        idx0 = cand[pl.ds(0, 16)]
        idx1 = cand[pl.ds(16, 16)]
        idx2 = cand[pl.ds(32, 16)]

        def mval(q, idxv):
            valid = (q * 16 + iota) < cnt
            return jnp.where(valid, gatherv(idxv), negv)

        v0, v1, v2 = mval(0, idx0), mval(1, idx1), mval(2, idx2)

        k0, i0 = plsc.sort_key_val(v0, idx0, descending=True)
        k1, i1 = plsc.sort_key_val(v1, idx1, descending=True)
        k2, i2 = plsc.sort_key_val(v2, idx2, descending=True)
        rk1 = lax.rev(k1, (0,))
        ri1 = lax.rev(i1, (0,))
        top_k, top_i, bot_k, bot_i = _cx(k0, i0, rk1, ri1)
        hk, hik = plsc.sort_key_val(top_k, top_i, descending=True)
        lk, lik = plsc.sort_key_val(bot_k, bot_i, descending=True)
        rk2 = lax.rev(k2, (0,))
        ri2 = lax.rev(i2, (0,))
        m1k, m1i, _, _ = _cx(lk, lik, rk2, ri2)
        s0k, s0i, s1k, s1i = _cx(hk, hik, m1k, m1i)
        fh, fhi = plsc.sort_key_val(s0k, s0i, descending=True)
        fl, fli = plsc.sort_key_val(s1k, s1i, descending=True)

        eq1 = (fh == jnp.take(fh, shift1)) & (iota < 15)
        eq2 = (fl == jnp.take(fl, shift1)) & (iota < 9)
        eq3 = (lax.rev(fh, (0,)) == fl) & (iota == 0)
        anyeq = jnp.max(
            plsc.all_reduce_population_count(eq1 | eq2 | eq3)
        ) > 0

        def slow_sel(_):
            def sel(k, carry):
                w0, w1, w2 = carry
                m = jnp.max(jnp.maximum(jnp.maximum(w0, w1), w2))
                c0 = jnp.where(w0 == m, idx0, _IMAX)
                c1 = jnp.where(w1 == m, idx1, _IMAX)
                c2 = jnp.where(w2 == m, idx2, _IMAX)
                i = jnp.min(jnp.minimum(jnp.minimum(c0, c1), c2))
                plsc.store_scatter(
                    outbuf,
                    [
                        jnp.full((16,), ri, jnp.int32),
                        jnp.zeros((16,), jnp.int32) + k,
                    ],
                    jnp.zeros((16,), jnp.int32) + i,
                    mask=iota == 0,
                )
                w0 = jnp.where(idx0 == i, negv, w0)
                w1 = jnp.where(idx1 == i, negv, w1)
                w2 = jnp.where(idx2 == i, negv, w2)
                return w0, w1, w2

            lax.fori_loop(0, K, sel, (v0, v1, v2))
            return 0

        def fast_store(_):
            outbuf[ri, pl.ds(0, 16)] = fhi
            outbuf[ri, pl.ds(16, 16)] = fli
            return 0

        lax.cond(anyeq, slow_sel, fast_store, 0)

    def row_iter(ri, _):
        row_body(ri)
        return 0

    lax.fori_loop(0, RPW, row_iter, 0)
    pltpu.make_async_copy(t_hbm.at[row0], rowbuf.at[0], sems[0]).wait()
    pltpu.sync_copy(outbuf, out_hbm.at[pl.ds(row0, RPW)])


_topk_sc_cache = []


def kernel(t):
    if not _topk_sc_cache:
        _topk_sc_cache.append(
            pl.kernel(
                _topk_body,
                out_type=_OUT_TYPE,
                mesh=_make_mesh(),
                scratch_types=_SCRATCH,
                compiler_params=pltpu.CompilerParams(needs_layout_passes=False),
            )
        )
    out = _topk_sc_cache[0](t)
    return out[:, :K]

# --- scband reference (transcript-rebuilt; emitter-appended) ---
"""Pipeline reference for scband-my-model-61933428411862 (READ-ONLY COPY).

The authoritative reference and input builder live on the scoring server;
editing this copy changes nothing except your own understanding.
"""

import jax, jax.numpy as jnp
import numpy as np


def setup_inputs(seed: int = 0) -> dict:
    key = jax.random.key(seed)
    t = jax.random.normal(key, (128, 32768), dtype=jnp.float32)
    return {"t": t}


def reference(t):
    # torch.topk(t, k) with k = t.shape[0] // 5 operates over the last dim by default;
    # the module returns only out[1], the indices.
    k = t.shape[0] // 5
    vals, idx = jax.lax.top_k(t, k)
    return idx

if __name__ == "__main__":
    import jax
    _d = setup_inputs()
    print(jax.jit(kernel)(*tuple(_d.values())))

</pallas_src>

<mosaic_0001>
#map = affine_map<(d0, d1) -> (0, 0)>
module attributes {stable_mosaic.version = 14 : i64} {
  func.func @_topk_body(%arg0: i32, %arg1: i32, %arg2: memref<128x32768xf32, #tpu.memory_space<hbm>>, %arg3: memref<128x32xi32, #tpu.memory_space<hbm>>, %arg4: memref<2x32768xf32, #tpu.memory_space<vmem>>, %arg5: memref<2048xf32, #tpu.memory_space<vmem>>, %arg6: memref<128xf32, #tpu.memory_space<vmem>>, %arg7: memref<128xi32, #tpu.memory_space<vmem>>, %arg8: memref<2048xi32, #tpu.memory_space<vmem>>, %arg9: memref<768xi32, #tpu.memory_space<vmem>>, %arg10: memref<4x32xi32, #tpu.memory_space<vmem>>, %arg11: memref<!tpu.dma_semaphore, #tpu.memory_space<semaphore_mem>>, %arg12: memref<!tpu.dma_semaphore, #tpu.memory_space<semaphore_mem>>) attributes {dimension_semantics = [#tpu.dimension_semantics<core_parallel>, #tpu.dimension_semantics<subcore_parallel>], iteration_bounds = array<i64: 2, 16>, scalar_prefetch = 0 : i64, scratch_operands = 9 : i64, tpu.core_type = #tpu.core_type<sc_vector_subcore>, window_params = [{transform_indices = #map}, {transform_indices = #map}]} {
    %iota3A = tpu.iota {dimensions = array<i32: 0>} : vector<16xi32>
    %broadcast_in_dim3A = arith.constant 0xFF800000 : f32
    %broadcast_in_dim3A_0 = vector.broadcast %broadcast_in_dim3A : f32 to vector<16xf32>
    %eq3A = arith.constant 8 : i32
    %eq3A_1 = vector.broadcast %eq3A : i32 to vector<16xi32>
    %eq3A_2 = arith.cmpi eq, %iota3A, %eq3A_1 : vector<16xi32>
    %add3A = arith.constant 1 : i32
    %add3A_3 = vector.broadcast %add3A : i32 to vector<16xi32>
    %add3A_4 = arith.addi %iota3A, %add3A_3 : vector<16xi32>
    %min3A = arith.constant 15 : i32
    %min3A_5 = vector.broadcast %min3A : i32 to vector<16xi32>
    %min3A_6 = arith.minsi %add3A_4, %min3A_5 : vector<16xi32>
    %mul3A = arith.constant 2 : i32
    %mul3A_7 = arith.muli %arg1, %mul3A : i32
    %add3A_8 = arith.addi %mul3A_7, %arg0 : i32
    %mul3A_9 = arith.constant 4 : i32
    %mul3A_10 = arith.muli %add3A_8, %mul3A_9 : i32
    %broadcast_in_dim3A_11 = arith.constant 0 : i32
    %broadcast_in_dim3A_12 = vector.broadcast %broadcast_in_dim3A_11 : i32 to vector<16xi32>
    %swap3A = arith.constant 0 : index
    %swap3A_13 = tpu.vector_load %arg9[%swap3A] {strides = array<i32>} : memref<768xi32, #tpu.memory_space<vmem>>, vector<16xi32>,
    tpu.vector_store %arg9[%swap3A], %broadcast_in_dim3A_12 {strides = array<i32>} : memref<768xi32, #tpu.memory_space<vmem>>, vector<16xi32>,
    %swap3A_14 = arith.constant 16 : index
    %swap3A_15 = tpu.vector_load %arg9[%swap3A_14] {strides = array<i32>} : memref<768xi32, #tpu.memory_space<vmem>>, vector<16xi32>,
    tpu.vector_store %arg9[%swap3A_14], %broadcast_in_dim3A_12 {strides = array<i32>} : memref<768xi32, #tpu.memory_space<vmem>>, vector<16xi32>,
    %swap3A_16 = arith.constant 32 : index
    %swap3A_17 = tpu.vector_load %arg9[%swap3A_16] {strides = array<i32>} : memref<768xi32, #tpu.memory_space<vmem>>, vector<16xi32>,
    tpu.vector_store %arg9[%swap3A_16], %broadcast_in_dim3A_12 {strides = array<i32>} : memref<768xi32, #tpu.memory_space<vmem>>, vector<16xi32>,
    %swap3A_18 = arith.constant 48 : index
    %swap3A_19 = tpu.vector_load %arg9[%swap3A_18] {strides = array<i32>} : memref<768xi32, #tpu.memory_space<vmem>>, vector<16xi32>,
    tpu.vector_store %arg9[%swap3A_18], %broadcast_in_dim3A_12 {strides = array<i32>} : memref<768xi32, #tpu.memory_space<vmem>>, vector<16xi32>,
    %swap3A_20 = arith.constant 64 : index
    %swap3A_21 = tpu.vector_load %arg9[%swap3A_20] {strides = array<i32>} : memref<768xi32, #tpu.memory_space<vmem>>, vector<16xi32>,
    tpu.vector_store %arg9[%swap3A_20], %broadcast_in_dim3A_12 {strides = array<i32>} : memref<768xi32, #tpu.memory_space<vmem>>, vector<16xi32>,
    %swap3A_22 = arith.constant 80 : index
    %swap3A_23 = tpu.vector_load %arg9[%swap3A_22] {strides = array<i32>} : memref<768xi32, #tpu.memory_space<vmem>>, vector<16xi32>,
    tpu.vector_store %arg9[%swap3A_22], %broadcast_in_dim3A_12 {strides = array<i32>} : memref<768xi32, #tpu.memory_space<vmem>>, vector<16xi32>,
    %swap3A_24 = arith.constant 96 : index
    %swap3A_25 = tpu.vector_load %arg9[%swap3A_24] {strides = array<i32>} : memref<768xi32, #tpu.memory_space<vmem>>, vector<16xi32>,
    tpu.vector_store %arg9[%swap3A_24], %broadcast_in_dim3A_12 {strides = array<i32>} : memref<768xi32, #tpu.memory_space<vmem>>, vector<16xi32>,
    %swap3A_26 = arith.constant 112 : index
    %swap3A_27 = tpu.vector_load %arg9[%swap3A_26] {strides = array<i32>} : memref<768xi32, #tpu.memory_space<vmem>>, vector<16xi32>,
    tpu.vector_store %arg9[%swap3A_26], %broadcast_in_dim3A_12 {strides = array<i32>} : memref<768xi32, #tpu.memory_space<vmem>>, vector<16xi32>,
    %swap3A_28 = arith.constant 128 : index
    %swap3A_29 = tpu.vector_load %arg9[%swap3A_28] {strides = array<i32>} : memref<768xi32, #tpu.memory_space<vmem>>, vector<16xi32>,
    tpu.vector_store %arg9[%swap3A_28], %broadcast_in_dim3A_12 {strides = array<i32>} : memref<768xi32, #tpu.memory_space<vmem>>, vector<16xi32>,
    %swap3A_30 = arith.constant 144 : index
    %swap3A_31 = tpu.vector_load %arg9[%swap3A_30] {strides = array<i32>} : memref<768xi32, #tpu.memory_space<vmem>>, vector<16xi32>,
    tpu.vector_store %arg9[%swap3A_30], %broadcast_in_dim3A_12 {strides = array<i32>} : memref<768xi32, #tpu.memory_space<vmem>>, vector<16xi32>,
    %swap3A_32 = arith.constant 160 : index
    %swap3A_33 = tpu.vector_load %arg9[%swap3A_32] {strides = array<i32>} : memref<768xi32, #tpu.memory_space<vmem>>, vector<16xi32>,
    tpu.vector_store %arg9[%swap3A_32], %broadcast_in_dim3A_12 {strides = array<i32>} : memref<768xi32, #tpu.memory_space<vmem>>, vector<16xi32>,
    %swap3A_34 = arith.constant 176 : index
    %swap3A_35 = tpu.vector_load %arg9[%swap3A_34] {strides = array<i32>} : memref<768xi32, #tpu.memory_space<vmem>>, vector<16xi32>,
    tpu.vector_store %arg9[%swap3A_34], %broadcast_in_dim3A_12 {strides = array<i32>} : memref<768xi32, #tpu.memory_space<vmem>>, vector<16xi32>,
    %swap3A_36 = arith.constant 192 : index
    %swap3A_37 = tpu.vector_load %arg9[%swap3A_36] {strides = array<i32>} : memref<768xi32, #tpu.memory_space<vmem>>, vector<16xi32>,
    tpu.vector_store %arg9[%swap3A_36], %broadcast_in_dim3A_12 {strides = array<i32>} : memref<768xi32, #tpu.memory_space<vmem>>, vector<16xi32>,
    %swap3A_38 = arith.constant 208 : index
    %swap3A_39 = tpu.vector_load %arg9[%swap3A_38] {strides = array<i32>} : memref<768xi32, #tpu.memory_space<vmem>>, vector<16xi32>,
    tpu.vector_store %arg9[%swap3A_38], %broadcast_in_dim3A_12 {strides = array<i32>} : memref<768xi32, #tpu.memory_space<vmem>>, vector<16xi32>,
    %swap3A_40 = arith.constant 224 : index
    %swap3A_41 = tpu.vector_load %arg9[%swap3A_40] {strides = array<i32>} : memref<768xi32, #tpu.memory_space<vmem>>, vector<16xi32>,
    tpu.vector_store %arg9[%swap3A_40], %broadcast_in_dim3A_12 {strides = array<i32>} : memref<768xi32, #tpu.memory_space<vmem>>, vector<16xi32>,
    %swap3A_42 = arith.constant 240 : index
    %swap3A_43 = tpu.vector_load %arg9[%swap3A_42] {strides = array<i32>} : memref<768xi32, #tpu.memory_space<vmem>>, vector<16xi32>,
    tpu.vector_store %arg9[%swap3A_42], %broadcast_in_dim3A_12 {strides = array<i32>} : memref<768xi32, #tpu.memory_space<vmem>>, vector<16xi32>,
    %swap3A_44 = arith.constant 256 : index
    %swap3A_45 = tpu.vector_load %arg9[%swap3A_44] {strides = array<i32>} : memref<768xi32, #tpu.memory_space<vmem>>, vector<16xi32>,
    tpu.vector_store %arg9[%swap3A_44], %broadcast_in_dim3A_12 {strides = array<i32>} : memref<768xi32, #tpu.memory_space<vmem>>, vector<16xi32>,
    %swap3A_46 = arith.constant 272 : index
    %swap3A_47 = tpu.vector_load %arg9[%swap3A_46] {strides = array<i32>} : memref<768xi32, #tpu.memory_space<vmem>>, vector<16xi32>,
    tpu.vector_store %arg9[%swap3A_46], %broadcast_in_dim3A_12 {strides = array<i32>} : memref<768xi32, #tpu.memory_space<vmem>>, vector<16xi32>,
    %swap3A_48 = arith.constant 288 : index
    %swap3A_49 = tpu.vector_load %arg9[%swap3A_48] {strides = array<i32>} : memref<768xi32, #tpu.memory_space<vmem>>, vector<16xi32>,
    tpu.vector_store %arg9[%swap3A_48], %broadcast_in_dim3A_12 {strides = array<i32>} : memref<768xi32, #tpu.memory_space<vmem>>, vector<16xi32>,
    %swap3A_50 = arith.constant 304 : index
    %swap3A_51 = tpu.vector_load %arg9[%swap3A_50] {strides = array<i32>} : memref<768xi32, #tpu.memory_space<vmem>>, vector<16xi32>,
    tpu.vector_store %arg9[%swap3A_50], %broadcast_in_dim3A_12 {strides = array<i32>} : memref<768xi32, #tpu.memory_space<vmem>>, vector<16xi32>,
    %swap3A_52 = arith.constant 320 : index
    %swap3A_53 = tpu.vector_load %arg9[%swap3A_52] {strides = array<i32>} : memref<768xi32, #tpu.memory_space<vmem>>, vector<16xi32>,
    tpu.vector_store %arg9[%swap3A_52], %broadcast_in_dim3A_12 {strides = array<i32>} : memref<768xi32, #tpu.memory_space<vmem>>, vector<16xi32>,
    %swap3A_54 = arith.constant 336 : index
    %swap3A_55 = tpu.vector_load %arg9[%swap3A_54] {strides = array<i32>} : memref<768xi32, #tpu.memory_space<vmem>>, vector<16xi32>,
    tpu.vector_store %arg9[%swap3A_54], %broadcast_in_dim3A_12 {strides = array<i32>} : memref<768xi32, #tpu.memory_space<vmem>>, vector<16xi32>,
    %swap3A_56 = arith.constant 352 : index
    %swap3A_57 = tpu.vector_load %arg9[%swap3A_56] {strides = array<i32>} : memref<768xi32, #tpu.memory_space<vmem>>, vector<16xi32>,
    tpu.vector_store %arg9[%swap3A_56], %broadcast_in_dim3A_12 {strides = array<i32>} : memref<768xi32, #tpu.memory_space<vmem>>, vector<16xi32>,
    %swap3A_58 = arith.constant 368 : index
    %swap3A_59 = tpu.vector_load %arg9[%swap3A_58] {strides = array<i32>} : memref<768xi32, #tpu.memory_space<vmem>>, vector<16xi32>,
    tpu.vector_store %arg9[%swap3A_58], %broadcast_in_dim3A_12 {strides = array<i32>} : memref<768xi32, #tpu.memory_space<vmem>>, vector<16xi32>,
    %swap3A_60 = arith.constant 384 : index
    %swap3A_61 = tpu.vector_load %arg9[%swap3A_60] {strides = array<i32>} : memref<768xi32, #tpu.memory_space<vmem>>, vector<16xi32>,
    tpu.vector_store %arg9[%swap3A_60], %broadcast_in_dim3A_12 {strides = array<i32>} : memref<768xi32, #tpu.memory_space<vmem>>, vector<16xi32>,
    %swap3A_62 = arith.constant 400 : index
    %swap3A_63 = tpu.vector_load %arg9[%swap3A_62] {strides = array<i32>} : memref<768xi32, #tpu.memory_space<vmem>>, vector<16xi32>,
    tpu.vector_store %arg9[%swap3A_62], %broadcast_in_dim3A_12 {strides = array<i32>} : memref<768xi32, #tpu.memory_space<vmem>>, vector<16xi32>,
    %swap3A_64 = arith.constant 416 : index
    %swap3A_65 = tpu.vector_load %arg9[%swap3A_64] {strides = array<i32>} : memref<768xi32, #tpu.memory_space<vmem>>, vector<16xi32>,
    tpu.vector_store %arg9[%swap3A_64], %broadcast_in_dim3A_12 {strides = array<i32>} : memref<768xi32, #tpu.memory_space<vmem>>, vector<16xi32>,
    %swap3A_66 = arith.constant 432 : index
    %swap3A_67 = tpu.vector_load %arg9[%swap3A_66] {strides = array<i32>} : memref<768xi32, #tpu.memory_space<vmem>>, vector<16xi32>,
    tpu.vector_store %arg9[%swap3A_66], %broadcast_in_dim3A_12 {strides = array<i32>} : memref<768xi32, #tpu.memory_space<vmem>>, vector<16xi32>,
    %swap3A_68 = arith.constant 448 : index
    %swap3A_69 = tpu.vector_load %arg9[%swap3A_68] {strides = array<i32>} : memref<768xi32, #tpu.memory_space<vmem>>, vector<16xi32>,
    tpu.vector_store %arg9[%swap3A_68], %broadcast_in_dim3A_12 {strides = array<i32>} : memref<768xi32, #tpu.memory_space<vmem>>, vector<16xi32>,
    %swap3A_70 = arith.constant 464 : index
    %swap3A_71 = tpu.vector_load %arg9[%swap3A_70] {strides = array<i32>} : memref<768xi32, #tpu.memory_space<vmem>>, vector<16xi32>,
    tpu.vector_store %arg9[%swap3A_70], %broadcast_in_dim3A_12 {strides = array<i32>} : memref<768xi32, #tpu.memory_space<vmem>>, vector<16xi32>,
    %swap3A_72 = arith.constant 480 : index
    %swap3A_73 = tpu.vector_load %arg9[%swap3A_72] {strides = array<i32>} : memref<768xi32, #tpu.memory_space<vmem>>, vector<16xi32>,
    tpu.vector_store %arg9[%swap3A_72], %broadcast_in_dim3A_12 {strides = array<i32>} : memref<768xi32, #tpu.memory_space<vmem>>, vector<16xi32>,
    %swap3A_74 = arith.constant 496 : index
    %swap3A_75 = tpu.vector_load %arg9[%swap3A_74] {strides = array<i32>} : memref<768xi32, #tpu.memory_space<vmem>>, vector<16xi32>,
    tpu.vector_store %arg9[%swap3A_74], %broadcast_in_dim3A_12 {strides = array<i32>} : memref<768xi32, #tpu.memory_space<vmem>>, vector<16xi32>,
    %swap3A_76 = arith.constant 512 : index
    %swap3A_77 = tpu.vector_load %arg9[%swap3A_76] {strides = array<i32>} : memref<768xi32, #tpu.memory_space<vmem>>, vector<16xi32>,
    tpu.vector_store %arg9[%swap3A_76], %broadcast_in_dim3A_12 {strides = array<i32>} : memref<768xi32, #tpu.memory_space<vmem>>, vector<16xi32>,
    %swap3A_78 = arith.constant 528 : index
    %swap3A_79 = tpu.vector_load %arg9[%swap3A_78] {strides = array<i32>} : memref<768xi32, #tpu.memory_space<vmem>>, vector<16xi32>,
    tpu.vector_store %arg9[%swap3A_78], %broadcast_in_dim3A_12 {strides = array<i32>} : memref<768xi32, #tpu.memory_space<vmem>>, vector<16xi32>,
    %swap3A_80 = arith.constant 544 : index
    %swap3A_81 = tpu.vector_load %arg9[%swap3A_80] {strides = array<i32>} : memref<768xi32, #tpu.memory_space<vmem>>, vector<16xi32>,
    tpu.vector_store %arg9[%swap3A_80], %broadcast_in_dim3A_12 {strides = array<i32>} : memref<768xi32, #tpu.memory_space<vmem>>, vector<16xi32>,
    %swap3A_82 = arith.constant 560 : index
    %swap3A_83 = tpu.vector_load %arg9[%swap3A_82] {strides = array<i32>} : memref<768xi32, #tpu.memory_space<vmem>>, vector<16xi32>,
    tpu.vector_store %arg9[%swap3A_82], %broadcast_in_dim3A_12 {strides = array<i32>} : memref<768xi32, #tpu.memory_space<vmem>>, vector<16xi32>,
    %swap3A_84 = arith.constant 576 : index
    %swap3A_85 = tpu.vector_load %arg9[%swap3A_84] {strides = array<i32>} : memref<768xi32, #tpu.memory_space<vmem>>, vector<16xi32>,
    tpu.vector_store %arg9[%swap3A_84], %broadcast_in_dim3A_12 {strides = array<i32>} : memref<768xi32, #tpu.memory_space<vmem>>, vector<16xi32>,
    %swap3A_86 = arith.constant 592 : index
    %swap3A_87 = tpu.vector_load %arg9[%swap3A_86] {strides = array<i32>} : memref<768xi32, #tpu.memory_space<vmem>>, vector<16xi32>,
    tpu.vector_store %arg9[%swap3A_86], %broadcast_in_dim3A_12 {strides = array<i32>} : memref<768xi32, #tpu.memory_space<vmem>>, vector<16xi32>,
    %swap3A_88 = arith.constant 608 : index
    %swap3A_89 = tpu.vector_load %arg9[%swap3A_88] {strides = array<i32>} : memref<768xi32, #tpu.memory_space<vmem>>, vector<16xi32>,
    tpu.vector_store %arg9[%swap3A_88], %broadcast_in_dim3A_12 {strides = array<i32>} : memref<768xi32, #tpu.memory_space<vmem>>, vector<16xi32>,
    %swap3A_90 = arith.constant 624 : index
    %swap3A_91 = tpu.vector_load %arg9[%swap3A_90] {strides = array<i32>} : memref<768xi32, #tpu.memory_space<vmem>>, vector<16xi32>,
    tpu.vector_store %arg9[%swap3A_90], %broadcast_in_dim3A_12 {strides = array<i32>} : memref<768xi32, #tpu.memory_space<vmem>>, vector<16xi32>,
    %swap3A_92 = arith.constant 640 : index
    %swap3A_93 = tpu.vector_load %arg9[%swap3A_92] {strides = array<i32>} : memref<768xi32, #tpu.memory_space<vmem>>, vector<16xi32>,
    tpu.vector_store %arg9[%swap3A_92], %broadcast_in_dim3A_12 {strides = array<i32>} : memref<768xi32, #tpu.memory_space<vmem>>, vector<16xi32>,
    %swap3A_94 = arith.constant 656 : index
    %swap3A_95 = tpu.vector_load %arg9[%swap3A_94] {strides = array<i32>} : memref<768xi32, #tpu.memory_space<vmem>>, vector<16xi32>,
    tpu.vector_store %arg9[%swap3A_94], %broadcast_in_dim3A_12 {strides = array<i32>} : memref<768xi32, #tpu.memory_space<vmem>>, vector<16xi32>,
    %swap3A_96 = arith.constant 672 : index
    %swap3A_97 = tpu.vector_load %arg9[%swap3A_96] {strides = array<i32>} : memref<768xi32, #tpu.memory_space<vmem>>, vector<16xi32>,
    tpu.vector_store %arg9[%swap3A_96], %broadcast_in_dim3A_12 {strides = array<i32>} : memref<768xi32, #tpu.memory_space<vmem>>, vector<16xi32>,
    %swap3A_98 = arith.constant 688 : index
    %swap3A_99 = tpu.vector_load %arg9[%swap3A_98] {strides = array<i32>} : memref<768xi32, #tpu.memory_space<vmem>>, vector<16xi32>,
    tpu.vector_store %arg9[%swap3A_98], %broadcast_in_dim3A_12 {strides = array<i32>} : memref<768xi32, #tpu.memory_space<vmem>>, vector<16xi32>,
    %swap3A_100 = arith.constant 704 : index
    %swap3A_101 = tpu.vector_load %arg9[%swap3A_100] {strides = array<i32>} : memref<768xi32, #tpu.memory_space<vmem>>, vector<16xi32>,
    tpu.vector_store %arg9[%swap3A_100], %broadcast_in_dim3A_12 {strides = array<i32>} : memref<768xi32, #tpu.memory_space<vmem>>, vector<16xi32>,
    %swap3A_102 = arith.constant 720 : index
    %swap3A_103 = tpu.vector_load %arg9[%swap3A_102] {strides = array<i32>} : memref<768xi32, #tpu.memory_space<vmem>>, vector<16xi32>,
    tpu.vector_store %arg9[%swap3A_102], %broadcast_in_dim3A_12 {strides = array<i32>} : memref<768xi32, #tpu.memory_space<vmem>>, vector<16xi32>,
    %swap3A_104 = arith.constant 736 : index
    %swap3A_105 = tpu.vector_load %arg9[%swap3A_104] {strides = array<i32>} : memref<768xi32, #tpu.memory_space<vmem>>, vector<16xi32>,
    tpu.vector_store %arg9[%swap3A_104], %broadcast_in_dim3A_12 {strides = array<i32>} : memref<768xi32, #tpu.memory_space<vmem>>, vector<16xi32>,
    %swap3A_106 = arith.constant 752 : index
    %swap3A_107 = tpu.vector_load %arg9[%swap3A_106] {strides = array<i32>} : memref<768xi32, #tpu.memory_space<vmem>>, vector<16xi32>,
    tpu.vector_store %arg9[%swap3A_106], %broadcast_in_dim3A_12 {strides = array<i32>} : memref<768xi32, #tpu.memory_space<vmem>>, vector<16xi32>,
    %scan3A = arith.constant 0 : i32
    %scan3A_108 = arith.constant 0 : i32
    %scan3A_109 = arith.constant 128 : i32
    %scan3A_110 = arith.addi %scan3A_108, %scan3A_109 : i32
    %scan3A_111 = arith.constant 1 : i32
    %scan3A_112 = scf.for %scan3A_161 = %scan3A_108 to %scan3A_110 step %scan3A_111 iter_args(%scan3A_162 = %scan3A) -> (i32)  : i32 {
      %mul3A_163 = arith.constant 16 : i32
      %mul3A_164 = arith.muli %scan3A_161, %mul3A_163 : i32
      %swap3A_165 = arith.index_cast %mul3A_164 : i32 to index
      %swap3A_166 = tpu.vector_load %arg8[%swap3A_165] {strides = array<i32>} : memref<2048xi32, #tpu.memory_space<vmem>>, vector<16xi32>,
      tpu.vector_store %arg8[%swap3A_165], %broadcast_in_dim3A_12 {strides = array<i32>} : memref<2048xi32, #tpu.memory_space<vmem>>, vector<16xi32>,
      %scan3A_167 = arith.constant 0 : i32
      scf.yield %scan3A_167 : i32
    }
    %scan3A_113 = arith.constant 128 : i32
    %swap3A_114 = arith.constant 0 : index
    %swap3A_115 = tpu.vector_load %arg7[%swap3A_114] {strides = array<i32>} : memref<128xi32, #tpu.memory_space<vmem>>, vector<16xi32>,
    tpu.vector_store %arg7[%swap3A_114], %broadcast_in_dim3A_12 {strides = array<i32>} : memref<128xi32, #tpu.memory_space<vmem>>, vector<16xi32>,
    %swap3A_116 = arith.constant 16 : index
    %swap3A_117 = tpu.vector_load %arg7[%swap3A_116] {strides = array<i32>} : memref<128xi32, #tpu.memory_space<vmem>>, vector<16xi32>,
    tpu.vector_store %arg7[%swap3A_116], %broadcast_in_dim3A_12 {strides = array<i32>} : memref<128xi32, #tpu.memory_space<vmem>>, vector<16xi32>,
    %swap3A_118 = arith.constant 32 : index
    %swap3A_119 = tpu.vector_load %arg7[%swap3A_118] {strides = array<i32>} : memref<128xi32, #tpu.memory_space<vmem>>, vector<16xi32>,
    tpu.vector_store %arg7[%swap3A_118], %broadcast_in_dim3A_12 {strides = array<i32>} : memref<128xi32, #tpu.memory_space<vmem>>, vector<16xi32>,
    %swap3A_120 = arith.constant 48 : index
    %swap3A_121 = tpu.vector_load %arg7[%swap3A_120] {strides = array<i32>} : memref<128xi32, #tpu.memory_space<vmem>>, vector<16xi32>,
    tpu.vector_store %arg7[%swap3A_120], %broadcast_in_dim3A_12 {strides = array<i32>} : memref<128xi32, #tpu.memory_space<vmem>>, vector<16xi32>,
    %swap3A_122 = arith.constant 64 : index
    %swap3A_123 = tpu.vector_load %arg7[%swap3A_122] {strides = array<i32>} : memref<128xi32, #tpu.memory_space<vmem>>, vector<16xi32>,
    tpu.vector_store %arg7[%swap3A_122], %broadcast_in_dim3A_12 {strides = array<i32>} : memref<128xi32, #tpu.memory_space<vmem>>, vector<16xi32>,
    %swap3A_124 = arith.constant 80 : index
    %swap3A_125 = tpu.vector_load %arg7[%swap3A_124] {strides = array<i32>} : memref<128xi32, #tpu.memory_space<vmem>>, vector<16xi32>,
    tpu.vector_store %arg7[%swap3A_124], %broadcast_in_dim3A_12 {strides = array<i32>} : memref<128xi32, #tpu.memory_space<vmem>>, vector<16xi32>,
    %swap3A_126 = arith.constant 96 : index
    %swap3A_127 = tpu.vector_load %arg7[%swap3A_126] {strides = array<i32>} : memref<128xi32, #tpu.memory_space<vmem>>, vector<16xi32>,
    tpu.vector_store %arg7[%swap3A_126], %broadcast_in_dim3A_12 {strides = array<i32>} : memref<128xi32, #tpu.memory_space<vmem>>, vector<16xi32>,
    %swap3A_128 = arith.constant 112 : index
    %swap3A_129 = tpu.vector_load %arg7[%swap3A_128] {strides = array<i32>} : memref<128xi32, #tpu.memory_space<vmem>>, vector<16xi32>,
    tpu.vector_store %arg7[%swap3A_128], %broadcast_in_dim3A_12 {strides = array<i32>} : memref<128xi32, #tpu.memory_space<vmem>>, vector<16xi32>,
    %dma_start3A = arith.constant 0 : i32
    %dma_start3A_130 = arith.constant 0 : i32
    %dma_start3A_131 = tpu.memref_slice %arg4[%dma_start3A, %dma_start3A_130] : memref<2x32768xf32, #tpu.memory_space<vmem>> -> memref<1x32768xf32, #tpu.memory_space<vmem>>
    %dma_start3A_132 = tpu.memref_squeeze %dma_start3A_131 : memref<1x32768xf32, #tpu.memory_space<vmem>> -> memref<32768xf32, #tpu.memory_space<vmem>>
    %dma_start3A_133 = arith.constant 0 : i32
    %dma_start3A_134 = tpu.memref_slice %arg2[%mul3A_10, %dma_start3A_133] : memref<128x32768xf32, #tpu.memory_space<hbm>> -> memref<1x32768xf32, #tpu.memory_space<hbm>>
    %dma_start3A_135 = tpu.memref_squeeze %dma_start3A_134 : memref<1x32768xf32, #tpu.memory_space<hbm>> -> memref<32768xf32, #tpu.memory_space<hbm>>
    %dma_start3A_136 = arith.constant 0 : i32
    %dma_start3A_137 = tpu.memref_slice %arg4[%dma_start3A, %dma_start3A_136] : memref<2x32768xf32, #tpu.memory_space<vmem>> -> memref<1x32768xf32, #tpu.memory_space<vmem>>
    %dma_start3A_138 = tpu.memref_squeeze %dma_start3A_137 : memref<1x32768xf32, #tpu.memory_space<vmem>> -> memref<32768xf32, #tpu.memory_space<vmem>>
    %dma_start3A_139 = arith.constant 0 : i32
    %dma_start3A_140 = tpu.memref_slice %arg2[%mul3A_10, %dma_start3A_139] : memref<128x32768xf32, #tpu.memory_space<hbm>> -> memref<1x32768xf32, #tpu.memory_space<hbm>>
    %dma_start3A_141 = tpu.memref_squeeze %dma_start3A_140 : memref<1x32768xf32, #tpu.memory_space<hbm>> -> memref<32768xf32, #tpu.memory_space<hbm>>
    tpu.enqueue_dma source(%dma_start3A_141 : memref<32768xf32, #tpu.memory_space<hbm>>) target(%dma_start3A_138 : memref<32768xf32, #tpu.memory_space<vmem>>) target_semaphore(%arg11 : memref<!tpu.dma_semaphore, #tpu.memory_space<semaphore_mem>>)
    %scan3A_142 = arith.constant 0 : i32
    %scan3A_143 = arith.constant 0 : i32
    %scan3A_144 = arith.constant 4 : i32
    %scan3A_145 = arith.addi %scan3A_143, %scan3A_144 : i32
    %scan3A_146 = arith.constant 1 : i32
    %scan3A_147 = scf.for %scan3A_161 = %scan3A_143 to %scan3A_145 step %scan3A_146 iter_args(%scan3A_162 = %scan3A_142) -> (i32)  : i32 {
      %jit3A = arith.constant 2 : i32
      %eq3A_163 = arith.constant 0 : i32
      %eq3A_164 = arith.cmpi eq, %jit3A, %eq3A_163 : i32
      %jit3A_165 = arith.constant 1 : i32
      %select_n3A = arith.select %eq3A_164, %jit3A_165, %jit3A : i32
      %rem3A = arith.remsi %scan3A_161, %select_n3A : i32
      %ne3A = arith.constant 0 : i32
      %ne3A_166 = arith.cmpi ne, %rem3A, %ne3A : i32
      %lt3A = arith.constant 0 : i32
      %lt3A_167 = arith.cmpi slt, %rem3A, %lt3A : i32
      %lt3A_168 = arith.constant 0 : i32
      %lt3A_169 = arith.cmpi slt, %select_n3A, %lt3A_168 : i32
      %ne3A_170 = arith.xori %lt3A_167, %lt3A_169 : i1
      %and3A = arith.andi %ne3A_170, %ne3A_166 : i1
      %add3A_171 = arith.addi %rem3A, %select_n3A : i32
      %select_n3A_172 = arith.select %and3A, %add3A_171, %rem3A : i32
      %eq3A_173 = arith.constant 0 : i32
      %eq3A_174 = arith.cmpi eq, %select_n3A_172, %eq3A_173 : i32
      %convert_element_type3A = arith.extui %eq3A_174 : i1 to i32
      %cond3A = arith.constant 0 : i32
      %cond3A_175 = arith.constant 0 : i32
      %cond3A_176 = arith.cmpi ne, %convert_element_type3A, %cond3A_175 : i32
      %cond3A_177 = scf.if %cond3A_176 -> (i32) {
        %dma_wait3A_182 = arith.constant 0 : i32
        %dma_wait3A_183 = arith.constant 0 : i32
        %dma_wait3A_184 = tpu.memref_slice %arg4[%dma_wait3A_182, %dma_wait3A_183] : memref<2x32768xf32, #tpu.memory_space<vmem>> -> memref<1x32768xf32, #tpu.memory_space<vmem>>
        %dma_wait3A_185 = tpu.memref_squeeze %dma_wait3A_184 : memref<1x32768xf32, #tpu.memory_space<vmem>> -> memref<32768xf32, #tpu.memory_space<vmem>>
        %dma_wait3A_186 = arith.constant 0 : i32
        %dma_wait3A_187 = tpu.memref_slice %arg2[%mul3A_10, %dma_wait3A_186] : memref<128x32768xf32, #tpu.memory_space<hbm>> -> memref<1x32768xf32, #tpu.memory_space<hbm>>
        %dma_wait3A_188 = tpu.memref_squeeze %dma_wait3A_187 : memref<1x32768xf32, #tpu.memory_space<hbm>> -> memref<32768xf32, #tpu.memory_space<hbm>>
        %dma_wait3A_189 = arith.constant 0 : i32
        %dma_wait3A_190 = tpu.memref_slice %arg4[%dma_wait3A_182, %dma_wait3A_189] : memref<2x32768xf32, #tpu.memory_space<vmem>> -> memref<1x32768xf32, #tpu.memory_space<vmem>>
        %dma_wait3A_191 = tpu.memref_squeeze %dma_wait3A_190 : memref<1x32768xf32, #tpu.memory_space<vmem>> -> memref<32768xf32, #tpu.memory_space<vmem>>
        %dma_wait3A_192 = arith.constant 0 : i32
        %dma_wait3A_193 = tpu.memref_slice %arg2[%mul3A_10, %dma_wait3A_192] : memref<128x32768xf32, #tpu.memory_space<hbm>> -> memref<1x32768xf32, #tpu.memory_space<hbm>>
        %dma_wait3A_194 = tpu.memref_squeeze %dma_wait3A_193 : memref<1x32768xf32, #tpu.memory_space<hbm>> -> memref<32768xf32, #tpu.memory_space<hbm>>
        tpu.wait_dma2 semaphore(%arg11 : memref<!tpu.dma_semaphore, #tpu.memory_space<semaphore_mem>>) src(%dma_wait3A_194 : memref<32768xf32, #tpu.memory_space<hbm>>) dst(%dma_wait3A_191 : memref<32768xf32, #tpu.memory_space<vmem>>)
        %scan3A_195 = arith.constant 0 : i32
        %scan3A_196 = arith.constant 0 : i32
        %scan3A_197 = arith.constant 128 : i32
        %scan3A_198 = arith.addi %scan3A_196, %scan3A_197 : i32
        %scan3A_199 = arith.constant 1 : i32
        %scan3A_200 = scf.for %scan3A_203 = %scan3A_196 to %scan3A_198 step %scan3A_199 iter_args(%scan3A_204 = %scan3A_195) -> (i32)  : i32 {
          %mul3A_205 = arith.constant 256 : i32
          %mul3A_206 = arith.muli %scan3A_203, %mul3A_205 : i32
          %get3A = arith.constant 0 : i32
          %get3A_207 = arith.index_cast %get3A : i32 to index
          %get3A_208 = arith.index_cast %mul3A_206 : i32 to index
          %get3A_209 = tpu.vector_load %arg4[%get3A_207, %get3A_208] {strides = array<i32>} : memref<2x32768xf32, #tpu.memory_space<vmem>>, vector<16xf32>,
          %add3A_210 = arith.constant 16 : i32
          %add3A_211 = arith.addi %mul3A_206, %add3A_210 : i32
          %get3A_212 = arith.constant 0 : i32
          %get3A_213 = arith.index_cast %get3A_212 : i32 to index
          %get3A_214 = arith.index_cast %add3A_211 : i32 to index
          %get3A_215 = tpu.vector_load %arg4[%get3A_213, %get3A_214] {strides = array<i32>} : memref<2x32768xf32, #tpu.memory_space<vmem>>, vector<16xf32>,
          %max3A = arith.maximumf %get3A_209, %get3A_215 : vector<16xf32>
          %add3A_216 = arith.constant 32 : i32
          %add3A_217 = arith.addi %mul3A_206, %add3A_216 : i32
          %get3A_218 = arith.constant 0 : i32
          %get3A_219 = arith.index_cast %get3A_218 : i32 to index
          %get3A_220 = arith.index_cast %add3A_217 : i32 to index
          %get3A_221 = tpu.vector_load %arg4[%get3A_219, %get3A_220] {strides = array<i32>} : memref<2x32768xf32, #tpu.memory_space<vmem>>, vector<16xf32>,
          %max3A_222 = arith.maximumf %max3A, %get3A_221 : vector<16xf32>
          %add3A_223 = arith.constant 48 : i32
          %add3A_224 = arith.addi %mul3A_206, %add3A_223 : i32
          %get3A_225 = arith.constant 0 : i32
          %get3A_226 = arith.index_cast %get3A_225 : i32 to index
          %get3A_227 = arith.index_cast %add3A_224 : i32 to index
          %get3A_228 = tpu.vector_load %arg4[%get3A_226, %get3A_227] {strides = array<i32>} : memref<2x32768xf32, #tpu.memory_space<vmem>>, vector<16xf32>,
          %max3A_229 = arith.maximumf %max3A_222, %get3A_228 : vector<16xf32>
          %add3A_230 = arith.constant 64 : i32
          %add3A_231 = arith.addi %mul3A_206, %add3A_230 : i32
          %get3A_232 = arith.constant 0 : i32
          %get3A_233 = arith.index_cast %get3A_232 : i32 to index
          %get3A_234 = arith.index_cast %add3A_231 : i32 to index
          %get3A_235 = tpu.vector_load %arg4[%get3A_233, %get3A_234] {strides = array<i32>} : memref<2x32768xf32, #tpu.memory_space<vmem>>, vector<16xf32>,
          %max3A_236 = arith.maximumf %max3A_229, %get3A_235 : vector<16xf32>
          %add3A_237 = arith.constant 80 : i32
          %add3A_238 = arith.addi %mul3A_206, %add3A_237 : i32
          %get3A_239 = arith.constant 0 : i32
          %get3A_240 = arith.index_cast %get3A_239 : i32 to index
          %get3A_241 = arith.index_cast %add3A_238 : i32 to index
          %get3A_242 = tpu.vector_load %arg4[%get3A_240, %get3A_241] {strides = array<i32>} : memref<2x32768xf32, #tpu.memory_space<vmem>>, vector<16xf32>,
          %max3A_243 = arith.maximumf %max3A_236, %get3A_242 : vector<16xf32>
          %add3A_244 = arith.constant 96 : i32
          %add3A_245 = arith.addi %mul3A_206, %add3A_244 : i32
          %get3A_246 = arith.constant 0 : i32
          %get3A_247 = arith.index_cast %get3A_246 : i32 to index
          %get3A_248 = arith.index_cast %add3A_245 : i32 to index
          %get3A_249 = tpu.vector_load %arg4[%get3A_247, %get3A_248] {strides = array<i32>} : memref<2x32768xf32, #tpu.memory_space<vmem>>, vector<16xf32>,
          %max3A_250 = arith.maximumf %max3A_243, %get3A_249 : vector<16xf32>
          %add3A_251 = arith.constant 112 : i32
          %add3A_252 = arith.addi %mul3A_206, %add3A_251 : i32
          %get3A_253 = arith.constant 0 : i32
          %get3A_254 = arith.index_cast %get3A_253 : i32 to index
          %get3A_255 = arith.index_cast %add3A_252 : i32 to index
          %get3A_256 = tpu.vector_load %arg4[%get3A_254, %get3A_255] {strides = array<i32>} : memref<2x32768xf32, #tpu.memory_space<vmem>>, vector<16xf32>,
          %max3A_257 = arith.maximumf %max3A_250, %get3A_256 : vector<16xf32>
          %add3A_258 = arith.constant 128 : i32
          %add3A_259 = arith.addi %mul3A_206, %add3A_258 : i32
          %get3A_260 = arith.constant 0 : i32
          %get3A_261 = arith.index_cast %get3A_260 : i32 to index
          %get3A_262 = arith.index_cast %add3A_259 : i32 to index
          %get3A_263 = tpu.vector_load %arg4[%get3A_261, %get3A_262] {strides = array<i32>} : memref<2x32768xf32, #tpu.memory_space<vmem>>, vector<16xf32>,
          %max3A_264 = arith.maximumf %max3A_257, %get3A_263 : vector<16xf32>
          %add3A_265 = arith.constant 144 : i32
          %add3A_266 = arith.addi %mul3A_206, %add3A_265 : i32
          %get3A_267 = arith.constant 0 : i32
          %get3A_268 = arith.index_cast %get3A_267 : i32 to index
          %get3A_269 = arith.index_cast %add3A_266 : i32 to index
          %get3A_270 = tpu.vector_load %arg4[%get3A_268, %get3A_269] {strides = array<i32>} : memref<2x32768xf32, #tpu.memory_space<vmem>>, vector<16xf32>,
          %max3A_271 = arith.maximumf %max3A_264, %get3A_270 : vector<16xf32>
          %add3A_272 = arith.constant 160 : i32
          %add3A_273 = arith.addi %mul3A_206, %add3A_272 : i32
          %get3A_274 = arith.constant 0 : i32
          %get3A_275 = arith.index_cast %get3A_274 : i32 to index
          %get3A_276 = arith.index_cast %add3A_273 : i32 to index
          %get3A_277 = tpu.vector_load %arg4[%get3A_275, %get3A_276] {strides = array<i32>} : memref<2x32768xf32, #tpu.memory_space<vmem>>, vector<16xf32>,
          %max3A_278 = arith.maximumf %max3A_271, %get3A_277 : vector<16xf32>
          %add3A_279 = arith.constant 176 : i32
          %add3A_280 = arith.addi %mul3A_206, %add3A_279 : i32
          %get3A_281 = arith.constant 0 : i32
          %get3A_282 = arith.index_cast %get3A_281 : i32 to index
          %get3A_283 = arith.index_cast %add3A_280 : i32 to index
          %get3A_284 = tpu.vector_load %arg4[%get3A_282, %get3A_283] {strides = array<i32>} : memref<2x32768xf32, #tpu.memory_space<vmem>>, vector<16xf32>,
          %max3A_285 = arith.maximumf %max3A_278, %get3A_284 : vector<16xf32>
          %add3A_286 = arith.constant 192 : i32
          %add3A_287 = arith.addi %mul3A_206, %add3A_286 : i32
          %get3A_288 = arith.constant 0 : i32
          %get3A_289 = arith.index_cast %get3A_288 : i32 to index
          %get3A_290 = arith.index_cast %add3A_287 : i32 to index
          %get3A_291 = tpu.vector_load %arg4[%get3A_289, %get3A_290] {strides = array<i32>} : memref<2x32768xf32, #tpu.memory_space<vmem>>, vector<16xf32>,
          %max3A_292 = arith.maximumf %max3A_285, %get3A_291 : vector<16xf32>
          %add3A_293 = arith.constant 208 : i32
          %add3A_294 = arith.addi %mul3A_206, %add3A_293 : i32
          %get3A_295 = arith.constant 0 : i32
          %get3A_296 = arith.index_cast %get3A_295 : i32 to index
          %get3A_297 = arith.index_cast %add3A_294 : i32 to index
          %get3A_298 = tpu.vector_load %arg4[%get3A_296, %get3A_297] {strides = array<i32>} : memref<2x32768xf32, #tpu.memory_space<vmem>>, vector<16xf32>,
          %max3A_299 = arith.maximumf %max3A_292, %get3A_298 : vector<16xf32>
          %add3A_300 = arith.constant 224 : i32
          %add3A_301 = arith.addi %mul3A_206, %add3A_300 : i32
          %get3A_302 = arith.constant 0 : i32
          %get3A_303 = arith.index_cast %get3A_302 : i32 to index
          %get3A_304 = arith.index_cast %add3A_301 : i32 to index
          %get3A_305 = tpu.vector_load %arg4[%get3A_303, %get3A_304] {strides = array<i32>} : memref<2x32768xf32, #tpu.memory_space<vmem>>, vector<16xf32>,
          %max3A_306 = arith.maximumf %max3A_299, %get3A_305 : vector<16xf32>
          %add3A_307 = arith.constant 240 : i32
          %add3A_308 = arith.addi %mul3A_206, %add3A_307 : i32
          %get3A_309 = arith.constant 0 : i32
          %get3A_310 = arith.index_cast %get3A_309 : i32 to index
          %get3A_311 = arith.index_cast %add3A_308 : i32 to index
          %get3A_312 = tpu.vector_load %arg4[%get3A_310, %get3A_311] {strides = array<i32>} : memref<2x32768xf32, #tpu.memory_space<vmem>>, vector<16xf32>,
          %max3A_313 = arith.maximumf %max3A_306, %get3A_312 : vector<16xf32>
          %mul3A_314 = arith.constant 16 : i32
          %mul3A_315 = arith.muli %scan3A_203, %mul3A_314 : i32
          %swap3A_316 = arith.index_cast %mul3A_315 : i32 to index
          %swap3A_317 = tpu.vector_load %arg5[%swap3A_316] {strides = array<i32>} : memref<2048xf32, #tpu.memory_space<vmem>>, vector<16xf32>,
          tpu.vector_store %arg5[%swap3A_316], %max3A_313 {strides = array<i32>} : memref<2048xf32, #tpu.memory_space<vmem>>, vector<16xf32>,
          %add3A_318 = arith.addi %mul3A_10, %scan3A_161 : i32
          %add3A_319 = arith.constant 1 : i32
          %add3A_320 = arith.addi %add3A_318, %add3A_319 : i32
          %min3A_321 = arith.constant 127 : i32
          %min3A_322 = arith.minsi %add3A_320, %min3A_321 : i32
          %dma_start3A_323 = arith.constant 1 : i32
          %dma_start3A_324 = tpu.memref_slice %arg4[%dma_start3A_323, %mul3A_206] : memref<2x32768xf32, #tpu.memory_space<vmem>> -> memref<1x128xf32, #tpu.memory_space<vmem>>
          %dma_start3A_325 = tpu.memref_squeeze %dma_start3A_324 : memref<1x128xf32, #tpu.memory_space<vmem>> -> memref<128xf32, #tpu.memory_space<vmem>>
          %dma_start3A_326 = tpu.memref_slice %arg2[%min3A_322, %mul3A_206] : memref<128x32768xf32, #tpu.memory_space<hbm>> -> memref<1x128xf32, #tpu.memory_space<hbm>>
          %dma_start3A_327 = tpu.memref_squeeze %dma_start3A_326 : memref<1x128xf32, #tpu.memory_space<hbm>> -> memref<128xf32, #tpu.memory_space<hbm>>
          %dma_start3A_328 = tpu.memref_slice %arg4[%dma_start3A_323, %mul3A_206] : memref<2x32768xf32, #tpu.memory_space<vmem>> -> memref<1x128xf32, #tpu.memory_space<vmem>>
          %dma_start3A_329 = tpu.memref_squeeze %dma_start3A_328 : memref<1x128xf32, #tpu.memory_space<vmem>> -> memref<128xf32, #tpu.memory_space<vmem>>
          %dma_start3A_330 = tpu.memref_slice %arg2[%min3A_322, %mul3A_206] : memref<128x32768xf32, #tpu.memory_space<hbm>> -> memref<1x128xf32, #tpu.memory_space<hbm>>
          %dma_start3A_331 = tpu.memref_squeeze %dma_start3A_330 : memref<1x128xf32, #tpu.memory_space<hbm>> -> memref<128xf32, #tpu.memory_space<hbm>>
          tpu.enqueue_dma source(%dma_start3A_331 : memref<128xf32, #tpu.memory_space<hbm>>) target(%dma_start3A_329 : memref<128xf32, #tpu.memory_space<vmem>>) target_semaphore(%arg12 : memref<!tpu.dma_semaphore, #tpu.memory_space<semaphore_mem>>)
          %add3A_332 = arith.constant 128 : i32
          %add3A_333 = arith.addi %mul3A_206, %add3A_332 : i32
          %add3A_334 = arith.constant 128 : i32
          %add3A_335 = arith.addi %mul3A_206, %add3A_334 : i32
          %dma_start3A_336 = arith.constant 1 : i32
          %dma_start3A_337 = tpu.memref_slice %arg4[%dma_start3A_336, %add3A_335] : memref<2x32768xf32, #tpu.memory_space<vmem>> -> memref<1x128xf32, #tpu.memory_space<vmem>>
          %dma_start3A_338 = tpu.memref_squeeze %dma_start3A_337 : memref<1x128xf32, #tpu.memory_space<vmem>> -> memref<128xf32, #tpu.memory_space<vmem>>
          %dma_start3A_339 = tpu.memref_slice %arg2[%min3A_322, %add3A_333] : memref<128x32768xf32, #tpu.memory_space<hbm>> -> memref<1x128xf32, #tpu.memory_space<hbm>>
          %dma_start3A_340 = tpu.memref_squeeze %dma_start3A_339 : memref<1x128xf32, #tpu.memory_space<hbm>> -> memref<128xf32, #tpu.memory_space<hbm>>
          %dma_start3A_341 = tpu.memref_slice %arg4[%dma_start3A_336, %add3A_335] : memref<2x32768xf32, #tpu.memory_space<vmem>> -> memref<1x128xf32, #tpu.memory_space<vmem>>
          %dma_start3A_342 = tpu.memref_squeeze %dma_start3A_341 : memref<1x128xf32, #tpu.memory_space<vmem>> -> memref<128xf32, #tpu.memory_space<vmem>>
          %dma_start3A_343 = tpu.memref_slice %arg2[%min3A_322, %add3A_333] : memref<128x32768xf32, #tpu.memory_space<hbm>> -> memref<1x128xf32, #tpu.memory_space<hbm>>
          %dma_start3A_344 = tpu.memref_squeeze %dma_start3A_343 : memref<1x128xf32, #tpu.memory_space<hbm>> -> memref<128xf32, #tpu.memory_space<hbm>>
          tpu.enqueue_dma source(%dma_start3A_344 : memref<128xf32, #tpu.memory_space<hbm>>) target(%dma_start3A_342 : memref<128xf32, #tpu.memory_space<vmem>>) target_semaphore(%arg12 : memref<!tpu.dma_semaphore, #tpu.memory_space<semaphore_mem>>)
          %scan3A_345 = arith.constant 0 : i32
          scf.yield %scan3A_345 : i32
        }
        %scan3A_201 = arith.constant 128 : i32
        %cond3A_202 = arith.constant 0 : i32
        scf.yield %cond3A_202 : i32
      } else {
        %dma_wait3A_182 = arith.constant 1 : i32
        %dma_wait3A_183 = arith.constant 0 : i32
        %dma_wait3A_184 = tpu.memref_slice %arg4[%dma_wait3A_182, %dma_wait3A_183] : memref<2x32768xf32, #tpu.memory_space<vmem>> -> memref<1x32768xf32, #tpu.memory_space<vmem>>
        %dma_wait3A_185 = tpu.memref_squeeze %dma_wait3A_184 : memref<1x32768xf32, #tpu.memory_space<vmem>> -> memref<32768xf32, #tpu.memory_space<vmem>>
        %dma_wait3A_186 = arith.constant 0 : i32
        %dma_wait3A_187 = tpu.memref_slice %arg2[%mul3A_10, %dma_wait3A_186] : memref<128x32768xf32, #tpu.memory_space<hbm>> -> memref<1x32768xf32, #tpu.memory_space<hbm>>
        %dma_wait3A_188 = tpu.memref_squeeze %dma_wait3A_187 : memref<1x32768xf32, #tpu.memory_space<hbm>> -> memref<32768xf32, #tpu.memory_space<hbm>>
        %dma_wait3A_189 = arith.constant 0 : i32
        %dma_wait3A_190 = tpu.memref_slice %arg4[%dma_wait3A_182, %dma_wait3A_189] : memref<2x32768xf32, #tpu.memory_space<vmem>> -> memref<1x32768xf32, #tpu.memory_space<vmem>>
        %dma_wait3A_191 = tpu.memref_squeeze %dma_wait3A_190 : memref<1x32768xf32, #tpu.memory_space<vmem>> -> memref<32768xf32, #tpu.memory_space<vmem>>
        %dma_wait3A_192 = arith.constant 0 : i32
        %dma_wait3A_193 = tpu.memref_slice %arg2[%mul3A_10, %dma_wait3A_192] : memref<128x32768xf32, #tpu.memory_space<hbm>> -> memref<1x32768xf32, #tpu.memory_space<hbm>>
        %dma_wait3A_194 = tpu.memref_squeeze %dma_wait3A_193 : memref<1x32768xf32, #tpu.memory_space<hbm>> -> memref<32768xf32, #tpu.memory_space<hbm>>
        tpu.wait_dma2 semaphore(%arg12 : memref<!tpu.dma_semaphore, #tpu.memory_space<semaphore_mem>>) src(%dma_wait3A_194 : memref<32768xf32, #tpu.memory_space<hbm>>) dst(%dma_wait3A_191 : memref<32768xf32, #tpu.memory_space<vmem>>)
        %scan3A_195 = arith.constant 0 : i32
        %scan3A_196 = arith.constant 0 : i32
        %scan3A_197 = arith.constant 128 : i32
        %scan3A_198 = arith.addi %scan3A_196, %scan3A_197 : i32
        %scan3A_199 = arith.constant 1 : i32
        %scan3A_200 = scf.for %scan3A_203 = %scan3A_196 to %scan3A_198 step %scan3A_199 iter_args(%scan3A_204 = %scan3A_195) -> (i32)  : i32 {
          %mul3A_205 = arith.constant 256 : i32
          %mul3A_206 = arith.muli %scan3A_203, %mul3A_205 : i32
          %get3A = arith.constant 1 : i32
          %get3A_207 = arith.index_cast %get3A : i32 to index
          %get3A_208 = arith.index_cast %mul3A_206 : i32 to index
          %get3A_209 = tpu.vector_load %arg4[%get3A_207, %get3A_208] {strides = array<i32>} : memref<2x32768xf32, #tpu.memory_space<vmem>>, vector<16xf32>,
          %add3A_210 = arith.constant 16 : i32
          %add3A_211 = arith.addi %mul3A_206, %add3A_210 : i32
          %get3A_212 = arith.constant 1 : i32
          %get3A_213 = arith.index_cast %get3A_212 : i32 to index
          %get3A_214 = arith.index_cast %add3A_211 : i32 to index
          %get3A_215 = tpu.vector_load %arg4[%get3A_213, %get3A_214] {strides = array<i32>} : memref<2x32768xf32, #tpu.memory_space<vmem>>, vector<16xf32>,
          %max3A = arith.maximumf %get3A_209, %get3A_215 : vector<16xf32>
          %add3A_216 = arith.constant 32 : i32
          %add3A_217 = arith.addi %mul3A_206, %add3A_216 : i32
          %get3A_218 = arith.constant 1 : i32
          %get3A_219 = arith.index_cast %get3A_218 : i32 to index
          %get3A_220 = arith.index_cast %add3A_217 : i32 to index
          %get3A_221 = tpu.vector_load %arg4[%get3A_219, %get3A_220] {strides = array<i32>} : memref<2x32768xf32, #tpu.memory_space<vmem>>, vector<16xf32>,
          %max3A_222 = arith.maximumf %max3A, %get3A_221 : vector<16xf32>
          %add3A_223 = arith.constant 48 : i32
          %add3A_224 = arith.addi %mul3A_206, %add3A_223 : i32
          %get3A_225 = arith.constant 1 : i32
          %get3A_226 = arith.index_cast %get3A_225 : i32 to index
          %get3A_227 = arith.index_cast %add3A_224 : i32 to index
          %get3A_228 = tpu.vector_load %arg4[%get3A_226, %get3A_227] {strides = array<i32>} : memref<2x32768xf32, #tpu.memory_space<vmem>>, vector<16xf32>,
          %max3A_229 = arith.maximumf %max3A_222, %get3A_228 : vector<16xf32>
          %add3A_230 = arith.constant 64 : i32
          %add3A_231 = arith.addi %mul3A_206, %add3A_230 : i32
          %get3A_232 = arith.constant 1 : i32
          %get3A_233 = arith.index_cast %get3A_232 : i32 to index
          %get3A_234 = arith.index_cast %add3A_231 : i32 to index
          %get3A_235 = tpu.vector_load %arg4[%get3A_233, %get3A_234] {strides = array<i32>} : memref<2x32768xf32, #tpu.memory_space<vmem>>, vector<16xf32>,
          %max3A_236 = arith.maximumf %max3A_229, %get3A_235 : vector<16xf32>
          %add3A_237 = arith.constant 80 : i32
          %add3A_238 = arith.addi %mul3A_206, %add3A_237 : i32
          %get3A_239 = arith.constant 1 : i32
          %get3A_240 = arith.index_cast %get3A_239 : i32 to index
          %get3A_241 = arith.index_cast %add3A_238 : i32 to index
          %get3A_242 = tpu.vector_load %arg4[%get3A_240, %get3A_241] {strides = array<i32>} : memref<2x32768xf32, #tpu.memory_space<vmem>>, vector<16xf32>,
          %max3A_243 = arith.maximumf %max3A_236, %get3A_242 : vector<16xf32>
          %add3A_244 = arith.constant 96 : i32
          %add3A_245 = arith.addi %mul3A_206, %add3A_244 : i32
          %get3A_246 = arith.constant 1 : i32
          %get3A_247 = arith.index_cast %get3A_246 : i32 to index
          %get3A_248 = arith.index_cast %add3A_245 : i32 to index
          %get3A_249 = tpu.vector_load %arg4[%get3A_247, %get3A_248] {strides = array<i32>} : memref<2x32768xf32, #tpu.memory_space<vmem>>, vector<16xf32>,
          %max3A_250 = arith.maximumf %max3A_243, %get3A_249 : vector<16xf32>
          %add3A_251 = arith.constant 112 : i32
          %add3A_252 = arith.addi %mul3A_206, %add3A_251 : i32
          %get3A_253 = arith.constant 1 : i32
          %get3A_254 = arith.index_cast %get3A_253 : i32 to index
          %get3A_255 = arith.index_cast %add3A_252 : i32 to index
          %get3A_256 = tpu.vector_load %arg4[%get3A_254, %get3A_255] {strides = array<i32>} : memref<2x32768xf32, #tpu.memory_space<vmem>>, vector<16xf32>,
          %max3A_257 = arith.maximumf %max3A_250, %get3A_256 : vector<16xf32>
          %add3A_258 = arith.constant 128 : i32
          %add3A_259 = arith.addi %mul3A_206, %add3A_258 : i32
          %get3A_260 = arith.constant 1 : i32
          %get3A_261 = arith.index_cast %get3A_260 : i32 to index
          %get3A_262 = arith.index_cast %add3A_259 : i32 to index
          %get3A_263 = tpu.vector_load %arg4[%get3A_261, %get3A_262] {strides = array<i32>} : memref<2x32768xf32, #tpu.memory_space<vmem>>, vector<16xf32>,
          %max3A_264 = arith.maximumf %max3A_257, %get3A_263 : vector<16xf32>
          %add3A_265 = arith.constant 144 : i32
          %add3A_266 = arith.addi %mul3A_206, %add3A_265 : i32
          %get3A_267 = arith.constant 1 : i32
          %get3A_268 = arith.index_cast %get3A_267 : i32 to index
          %get3A_269 = arith.index_cast %add3A_266 : i32 to index
          %get3A_270 = tpu.vector_load %arg4[%get3A_268, %get3A_269] {strides = array<i32>} : memref<2x32768xf32, #tpu.memory_space<vmem>>, vector<16xf32>,
          %max3A_271 = arith.maximumf %max3A_264, %get3A_270 : vector<16xf32>
          %add3A_272 = arith.constant 160 : i32
          %add3A_273 = arith.addi %mul3A_206, %add3A_272 : i32
          %get3A_274 = arith.constant 1 : i32
          %get3A_275 = arith.index_cast %get3A_274 : i32 to index
          %get3A_276 = arith.index_cast %add3A_273 : i32 to index
          %get3A_277 = tpu.vector_load %arg4[%get3A_275, %get3A_276] {strides = array<i32>} : memref<2x32768xf32, #tpu.memory_space<vmem>>, vector<16xf32>,
          %max3A_278 = arith.maximumf %max3A_271, %get3A_277 : vector<16xf32>
          %add3A_279 = arith.constant 176 : i32
          %add3A_280 = arith.addi %mul3A_206, %add3A_279 : i32
          %get3A_281 = arith.constant 1 : i32
          %get3A_282 = arith.index_cast %get3A_281 : i32 to index
          %get3A_283 = arith.index_cast %add3A_280 : i32 to index
          %get3A_284 = tpu.vector_load %arg4[%get3A_282, %get3A_283] {strides = array<i32>} : memref<2x32768xf32, #tpu.memory_space<vmem>>, vector<16xf32>,
          %max3A_285 = arith.maximumf %max3A_278, %get3A_284 : vector<16xf32>
          %add3A_286 = arith.constant 192 : i32
          %add3A_287 = arith.addi %mul3A_206, %add3A_286 : i32
          %get3A_288 = arith.constant 1 : i32
          %get3A_289 = arith.index_cast %get3A_288 : i32 to index
          %get3A_290 = arith.index_cast %add3A_287 : i32 to index
          %get3A_291 = tpu.vector_load %arg4[%get3A_289, %get3A_290] {strides = array<i32>} : memref<2x32768xf32, #tpu.memory_space<vmem>>, vector<16xf32>,
          %max3A_292 = arith.maximumf %max3A_285, %get3A_291 : vector<16xf32>
          %add3A_293 = arith.constant 208 : i32
          %add3A_294 = arith.addi %mul3A_206, %add3A_293 : i32
          %get3A_295 = arith.constant 1 : i32
          %get3A_296 = arith.index_cast %get3A_295 : i32 to index
          %get3A_297 = arith.index_cast %add3A_294 : i32 to index
          %get3A_298 = tpu.vector_load %arg4[%get3A_296, %get3A_297] {strides = array<i32>} : memref<2x32768xf32, #tpu.memory_space<vmem>>, vector<16xf32>,
          %max3A_299 = arith.maximumf %max3A_292, %get3A_298 : vector<16xf32>
          %add3A_300 = arith.constant 224 : i32
          %add3A_301 = arith.addi %mul3A_206, %add3A_300 : i32
          %get3A_302 = arith.constant 1 : i32
          %get3A_303 = arith.index_cast %get3A_302 : i32 to index
          %get3A_304 = arith.index_cast %add3A_301 : i32 to index
          %get3A_305 = tpu.vector_load %arg4[%get3A_303, %get3A_304] {strides = array<i32>} : memref<2x32768xf32, #tpu.memory_space<vmem>>, vector<16xf32>,
          %max3A_306 = arith.maximumf %max3A_299, %get3A_305 : vector<16xf32>
          %add3A_307 = arith.constant 240 : i32
          %add3A_308 = arith.addi %mul3A_206, %add3A_307 : i32
          %get3A_309 = arith.constant 1 : i32
          %get3A_310 = arith.index_cast %get3A_309 : i32 to index
          %get3A_311 = arith.index_cast %add3A_308 : i32 to index
          %get3A_312 = tpu.vector_load %arg4[%get3A_310, %get3A_311] {strides = array<i32>} : memref<2x32768xf32, #tpu.memory_space<vmem>>, vector<16xf32>,
          %max3A_313 = arith.maximumf %max3A_306, %get3A_312 : vector<16xf32>
          %mul3A_314 = arith.constant 16 : i32
          %mul3A_315 = arith.muli %scan3A_203, %mul3A_314 : i32
          %swap3A_316 = arith.index_cast %mul3A_315 : i32 to index
          %swap3A_317 = tpu.vector_load %arg5[%swap3A_316] {strides = array<i32>} : memref<2048xf32, #tpu.memory_space<vmem>>, vector<16xf32>,
          tpu.vector_store %arg5[%swap3A_316], %max3A_313 {strides = array<i32>} : memref<2048xf32, #tpu.memory_space<vmem>>, vector<16xf32>,
          %add3A_318 = arith.addi %mul3A_10, %scan3A_161 : i32
          %add3A_319 = arith.constant 1 : i32
          %add3A_320 = arith.addi %add3A_318, %add3A_319 : i32
          %min3A_321 = arith.constant 127 : i32
          %min3A_322 = arith.minsi %add3A_320, %min3A_321 : i32
          %dma_start3A_323 = arith.constant 0 : i32
          %dma_start3A_324 = tpu.memref_slice %arg4[%dma_start3A_323, %mul3A_206] : memref<2x32768xf32, #tpu.memory_space<vmem>> -> memref<1x128xf32, #tpu.memory_space<vmem>>
          %dma_start3A_325 = tpu.memref_squeeze %dma_start3A_324 : memref<1x128xf32, #tpu.memory_space<vmem>> -> memref<128xf32, #tpu.memory_space<vmem>>
          %dma_start3A_326 = tpu.memref_slice %arg2[%min3A_322, %mul3A_206] : memref<128x32768xf32, #tpu.memory_space<hbm>> -> memref<1x128xf32, #tpu.memory_space<hbm>>
          %dma_start3A_327 = tpu.memref_squeeze %dma_start3A_326 : memref<1x128xf32, #tpu.memory_space<hbm>> -> memref<128xf32, #tpu.memory_space<hbm>>
          %dma_start3A_328 = tpu.memref_slice %arg4[%dma_start3A_323, %mul3A_206] : memref<2x32768xf32, #tpu.memory_space<vmem>> -> memref<1x128xf32, #tpu.memory_space<vmem>>
          %dma_start3A_329 = tpu.memref_squeeze %dma_start3A_328 : memref<1x128xf32, #tpu.memory_space<vmem>> -> memref<128xf32, #tpu.memory_space<vmem>>
          %dma_start3A_330 = tpu.memref_slice %arg2[%min3A_322, %mul3A_206] : memref<128x32768xf32, #tpu.memory_space<hbm>> -> memref<1x128xf32, #tpu.memory_space<hbm>>
          %dma_start3A_331 = tpu.memref_squeeze %dma_start3A_330 : memref<1x128xf32, #tpu.memory_space<hbm>> -> memref<128xf32, #tpu.memory_space<hbm>>
          tpu.enqueue_dma source(%dma_start3A_331 : memref<128xf32, #tpu.memory_space<hbm>>) target(%dma_start3A_329 : memref<128xf32, #tpu.memory_space<vmem>>) target_semaphore(%arg11 : memref<!tpu.dma_semaphore, #tpu.memory_space<semaphore_mem>>)
          %add3A_332 = arith.constant 128 : i32
          %add3A_333 = arith.addi %mul3A_206, %add3A_332 : i32
          %add3A_334 = arith.constant 128 : i32
          %add3A_335 = arith.addi %mul3A_206, %add3A_334 : i32
          %dma_start3A_336 = arith.constant 0 : i32
          %dma_start3A_337 = tpu.memref_slice %arg4[%dma_start3A_336, %add3A_335] : memref<2x32768xf32, #tpu.memory_space<vmem>> -> memref<1x128xf32, #tpu.memory_space<vmem>>
          %dma_start3A_338 = tpu.memref_squeeze %dma_start3A_337 : memref<1x128xf32, #tpu.memory_space<vmem>> -> memref<128xf32, #tpu.memory_space<vmem>>
          %dma_start3A_339 = tpu.memref_slice %arg2[%min3A_322, %add3A_333] : memref<128x32768xf32, #tpu.memory_space<hbm>> -> memref<1x128xf32, #tpu.memory_space<hbm>>
          %dma_start3A_340 = tpu.memref_squeeze %dma_start3A_339 : memref<1x128xf32, #tpu.memory_space<hbm>> -> memref<128xf32, #tpu.memory_space<hbm>>
          %dma_start3A_341 = tpu.memref_slice %arg4[%dma_start3A_336, %add3A_335] : memref<2x32768xf32, #tpu.memory_space<vmem>> -> memref<1x128xf32, #tpu.memory_space<vmem>>
          %dma_start3A_342 = tpu.memref_squeeze %dma_start3A_341 : memref<1x128xf32, #tpu.memory_space<vmem>> -> memref<128xf32, #tpu.memory_space<vmem>>
          %dma_start3A_343 = tpu.memref_slice %arg2[%min3A_322, %add3A_333] : memref<128x32768xf32, #tpu.memory_space<hbm>> -> memref<1x128xf32, #tpu.memory_space<hbm>>
          %dma_start3A_344 = tpu.memref_squeeze %dma_start3A_343 : memref<1x128xf32, #tpu.memory_space<hbm>> -> memref<128xf32, #tpu.memory_space<hbm>>
          tpu.enqueue_dma source(%dma_start3A_344 : memref<128xf32, #tpu.memory_space<hbm>>) target(%dma_start3A_342 : memref<128xf32, #tpu.memory_space<vmem>>) target_semaphore(%arg11 : memref<!tpu.dma_semaphore, #tpu.memory_space<semaphore_mem>>)
          %scan3A_345 = arith.constant 0 : i32
          scf.yield %scan3A_345 : i32
        }
        %scan3A_201 = arith.constant 128 : i32
        %cond3A_202 = arith.constant 0 : i32
        scf.yield %cond3A_202 : i32
      }
      %swap3A_178 = arith.index_cast %scan3A_161 : i32 to index
      %swap3A_179 = arith.constant 0 : index
      %swap3A_180 = tpu.vector_load %arg10[%swap3A_178, %swap3A_179] {strides = array<i32>} : memref<4x32xi32, #tpu.memory_space<vmem>>, vector<16xi32>,
      tpu.vector_store %arg10[%swap3A_178, %swap3A_179], %iota3A {strides = array<i32>} : memref<4x32xi32, #tpu.memory_space<vmem>>, vector<16xi32>,
      %scan3A_181 = arith.constant 0 : i32
      scf.yield %scan3A_181 : i32
    }
    %scan3A_148 = arith.constant 4 : i32
    %dma_wait3A = arith.constant 0 : i32
    %dma_wait3A_149 = arith.constant 0 : i32
    %dma_wait3A_150 = tpu.memref_slice %arg4[%dma_wait3A, %dma_wait3A_149] : memref<2x32768xf32, #tpu.memory_space<vmem>> -> memref<1x32768xf32, #tpu.memory_space<vmem>>
    %dma_wait3A_151 = tpu.memref_squeeze %dma_wait3A_150 : memref<1x32768xf32, #tpu.memory_space<vmem>> -> memref<32768xf32, #tpu.memory_space<vmem>>
    %dma_wait3A_152 = arith.constant 0 : i32
    %dma_wait3A_153 = tpu.memref_slice %arg2[%mul3A_10, %dma_wait3A_152] : memref<128x32768xf32, #tpu.memory_space<hbm>> -> memref<1x32768xf32, #tpu.memory_space<hbm>>
    %dma_wait3A_154 = tpu.memref_squeeze %dma_wait3A_153 : memref<1x32768xf32, #tpu.memory_space<hbm>> -> memref<32768xf32, #tpu.memory_space<hbm>>
    %dma_wait3A_155 = arith.constant 0 : i32
    %dma_wait3A_156 = tpu.memref_slice %arg4[%dma_wait3A, %dma_wait3A_155] : memref<2x32768xf32, #tpu.memory_space<vmem>> -> memref<1x32768xf32, #tpu.memory_space<vmem>>
    %dma_wait3A_157 = tpu.memref_squeeze %dma_wait3A_156 : memref<1x32768xf32, #tpu.memory_space<vmem>> -> memref<32768xf32, #tpu.memory_space<vmem>>
    %dma_wait3A_158 = arith.constant 0 : i32
    %dma_wait3A_159 = tpu.memref_slice %arg2[%mul3A_10, %dma_wait3A_158] : memref<128x32768xf32, #tpu.memory_space<hbm>> -> memref<1x32768xf32, #tpu.memory_space<hbm>>
    %dma_wait3A_160 = tpu.memref_squeeze %dma_wait3A_159 : memref<1x32768xf32, #tpu.memory_space<hbm>> -> memref<32768xf32, #tpu.memory_space<hbm>>
    tpu.wait_dma2 semaphore(%arg11 : memref<!tpu.dma_semaphore, #tpu.memory_space<semaphore_mem>>) src(%dma_wait3A_160 : memref<32768xf32, #tpu.memory_space<hbm>>) dst(%dma_wait3A_157 : memref<32768xf32, #tpu.memory_space<vmem>>)
    "tpu.region"() ({
      %run_scoped3A = tpu.sem_alloc : memref<!tpu.dma_semaphore, #tpu.memory_space<semaphore_mem>>
      %dma_start3A_161 = arith.constant 0 : i32
      %dma_start3A_162 = tpu.memref_slice %arg3[%mul3A_10, %dma_start3A_161] : memref<128x32xi32, #tpu.memory_space<hbm>> -> memref<4x32xi32, #tpu.memory_space<hbm>>
      %dma_start3A_163 = arith.constant 0 : i32
      %dma_start3A_164 = tpu.memref_slice %arg3[%mul3A_10, %dma_start3A_163] : memref<128x32xi32, #tpu.memory_space<hbm>> -> memref<4x32xi32, #tpu.memory_space<hbm>>
      tpu.enqueue_dma source(%arg10 : memref<4x32xi32, #tpu.memory_space<vmem>>) target(%dma_start3A_164 : memref<4x32xi32, #tpu.memory_space<hbm>>) target_semaphore(%run_scoped3A : memref<!tpu.dma_semaphore, #tpu.memory_space<semaphore_mem>>)
      %dma_wait3A_165 = arith.constant 0 : i32
      %dma_wait3A_166 = tpu.memref_slice %arg3[%mul3A_10, %dma_wait3A_165] : memref<128x32xi32, #tpu.memory_space<hbm>> -> memref<4x32xi32, #tpu.memory_space<hbm>>
      %dma_wait3A_167 = arith.constant 0 : i32
      %dma_wait3A_168 = tpu.memref_slice %arg3[%mul3A_10, %dma_wait3A_167] : memref<128x32xi32, #tpu.memory_space<hbm>> -> memref<4x32xi32, #tpu.memory_space<hbm>>
      tpu.wait_dma2 semaphore(%run_scoped3A : memref<!tpu.dma_semaphore, #tpu.memory_space<semaphore_mem>>) src(%arg10 : memref<4x32xi32, #tpu.memory_space<vmem>>) dst(%dma_wait3A_168 : memref<4x32xi32, #tpu.memory_space<hbm>>)
      tpu.yield
    }) : () -> ()
    return
  }
}

</mosaic_0001>

<sc_bundles>
// kernel: kernel.3.cloned.1.call-start
scs
__scs_entry_jumppad:
0x0: {  	(pc) =	sbr.rel $0x88, $3  }
0x1: {  	(tag) =	ssettag $0x0;
	lr =	simm.s32 $0x1  }
0x2: {  	[smem:$0x3FA0] =	sst lr;
	_ =	strace $0xD0000000  }
0x3: {  	_ = 	snop  }
0x4: {  	_ = 	snop  }
0x5: {  	_ = 	snop  }
0x6: {  	_ = 	snop  }
0x7: {  	_ = 	snop  }
__scs_overlays_trampoline_lowered:
0x8: {  	[smem:$0x3FAF] =	sst s0  }
0x9: {  	[smem:$0x3FB0] =	sst s1  }
0xa: {  	[smem:$0x3FB1] =	sst s2  }
0xb: {  	[smem:$0x3FB2] =	sst s3  }
0xc: {  	[smem:$0x3FB3] =	sst s4  }
0xd: {  	[smem:$0x3FB4] =	sst s5  }
0xe: {  	[smem:$0x3FB5] =	sst s6  }
0xf: {  	[smem:$0x3FB6] =	sst s7  }
0x10: {  	[smem:$0x3FB7] =	sst s8  }
0x11: {  	[smem:$0x3FB8] =	sst s9;
	s0 =	simm.s32 @!p0 $0x0  }
0x12: {  	s1 =	sld [smem:$0x3F9E];
	s0 =	simm.s32 @p0 $0x1  }
0x13: {  	[smem:$0x3FB9] =	sst s0;
	s0 =	simm.s32 @!p1 $0x0  }
0x14: {  	s2 =	sld [smem:$0x3F9D];
	s0 =	simm.s32 @p1 $0x1  }
0x15: {  	[smem:$0x3FBA] =	sst s0;
	s0 =	simm.s32 @!p2 $0x0  }
0x16: {  	s3 =	sld [smem:$0x3FDB];
	s0 =	simm.s32 @p2 $0x1  }
0x17: {  	s4 =	simm.s32 $0x1BF5;
	[smem:$0x3FBC] =	sst s0  }
0x18: {  	s0 =	sld [smem:$0x3F9F];
	_ =	swait.ge [sflag:s4], $0x0  }
0x19: {  	s7 =	sld [smem:$0x3FA0]  }
0x1a: {  	s8 =	sadd.s32 $0xFFFFE003, lr  }
0x1b: {  	s9 =	sadd.s32 $0xFFFFFEF7, lr;
	s5 =	simm.s32 $0xFFFFFFFF;
	p2 =	slt.u32 s8, $0xFFFFF086  }
0x1c: {  	p1 =	slt.u32 s9, $0xF7A;
	s5 =	simm.s32 @!p2 $0x0  }
0x1d: {  	s5 =	simm.s32 @p1 $0x1;
	p0 =	seq.s32 s7, s2  }
0x1e: {  	s7 =	smul.u32 @!p0 $0xF7A, s2;
	p2 =	seq.s32 @!p0 s5, $0x0  }
0x1f: {  	s9 =	smul.u32 $0xF7A, s1;
	s8 =	simm.s32 @!p0 $0x1BF5;
	p2 =	por !p2, p0  }
0x20: {  	[sflag:s8] =	ssyncset.s32 @!p0 $0xFFFFF086;
	s6 =	sadd.s32 @!p0 s3, s7;
	s7 =	simm.s32 @!p0 $0x108  }
0x21: {  	s3 =	sadd.s32 s3, s9;
	s6 =	sadd.s32 @!p0 $0x88, s6;
	s7 =	simm.s32 @p2 $0x1082  }
0x22: {  	[simem:s7], [sflag:s8] =	dma.local @!p0 [hbm:s6], $0xF7A  }
0x23: {  	s9 =	sor.u32 $0xD0000000, s2;
	s6 =	simm.s32 $0x108;
	_ =	swait.ge @!p0 [sflag:s8], $0x0  }
0x24: {  	s3 =	sadd.s32 $0x88, s3;
	s6 =	simm.s32 @!p1 $0x1082;
	[sflag:s4] =	ssyncset.s32 $0xFFFFF086  }
0x25: {  	[simem:s6], [sflag:s4] =	dma.local [hbm:s3], $0xF7A  }
0x26: {  	[smem:$0x3FA0] =	sst s1;
	(tag) =	ssettag s2;
	_ =	strace s9  }
0x27: {  	s1 =	sld [smem:$0x3FB0]  }
0x28: {  	s2 =	sld [smem:$0x3FB1]  }
0x29: {  	s4 =	sld [smem:$0x3FB3]  }
0x2a: {  	p0 =	seq.s32 s5, $0x0;
	s5 =	sld [smem:$0x3FB4]  }
0x2b: {  	s6 =	sld [smem:$0x3FB5]  }
0x2c: {  	s7 =	sld [smem:$0x3FB6]  }
0x2d: {  	s3 =	simm.s32 $0x108;
	s8 =	sld [smem:$0x3FB7]  }
0x2e: {  	s3 =	simm.s32 @!p0 $0x1082;
	s9 =	sld [smem:$0x3FB8]  }
0x2f: {  	lr =	sadd.s32 s0, s3;
	s0 =	sld [smem:$0x3FAF]  }
0x30: {  	s3 =	sld [smem:$0x3FB2]  }
0x31: {  	[smem:$0x3FBB] =	sst s10  }
0x32: {  	s10 =	sld [smem:$0x3FB9];
	_ =	sdelay $0x3  }
0x33: {  	p0 =	seq.s32 s10, $0x1;
	s10 =	sld [smem:$0x3FBB];
	_ =	sdelay $0x3  }
0x34: {  	[smem:$0x3FBB] =	sst s10  }
0x35: {  	s10 =	sld [smem:$0x3FBA];
	_ =	sdelay $0x3  }
0x36: {  	p1 =	seq.s32 s10, $0x1;
	s10 =	sld [smem:$0x3FBB];
	_ =	sdelay $0x3  }
0x37: {  	[smem:$0x3FBB] =	sst s10  }
0x38: {  	s10 =	sld [smem:$0x3FBC]  }
0x39: {  	_ = 	snop;
	(pc) =	sbr.ind lr, $3  }
0x3a: {  	_ = 	snop  }
0x3b: {  	_ = 	snop  }
0x3c: {  	p2 =	seq.s32 s10, $0x1;
	s10 =	sld [smem:$0x3FBB]  }
0x3d: {  	_ =	shalt  }
0x3e: {  	_ =	shalt  }
0x3f: {  	_ =	shalt  }
0x40: {  	_ =	shalt  }
0x41: {  	_ =	shalt  }
0x42: {  	_ =	shalt  }
0x43: {  	_ =	shalt  }
0x44: {  	_ =	shalt  }
0x45: {  	_ =	shalt  }
0x46: {  	_ =	shalt  }
0x47: {  	_ =	shalt  }
0x48: {  	_ =	shalt  }
0x49: {  	_ =	shalt  }
0x4a: {  	_ =	shalt  }
0x4b: {  	_ =	shalt  }
0x4c: {  	_ =	shalt  }
0x4d: {  	_ =	shalt  }
0x4e: {  	_ =	shalt  }
0x4f: {  	_ =	shalt  }
0x50: {  	_ =	shalt  }
0x51: {  	_ =	shalt  }
0x52: {  	_ =	shalt  }
0x53: {  	_ =	shalt  }
0x54: {  	_ =	shalt  }
0x55: {  	_ =	shalt  }
0x56: {  	_ =	shalt  }
0x57: {  	_ =	shalt  }
0x58: {  	_ =	shalt  }
0x59: {  	_ =	shalt  }
0x5a: {  	_ =	shalt  }
0x5b: {  	_ =	shalt  }
0x5c: {  	_ =	shalt  }
0x5d: {  	_ =	shalt  }
0x5e: {  	_ =	shalt  }
0x5f: {  	_ =	shalt  }
0x60: {  	_ =	shalt  }
0x61: {  	_ =	shalt  }
0x62: {  	_ =	shalt  }
0x63: {  	_ =	shalt  }
0x64: {  	_ =	shalt  }
0x65: {  	_ =	shalt  }
0x66: {  	_ =	shalt  }
0x67: {  	_ =	shalt  }
0x68: {  	_ =	shalt  }
0x69: {  	_ =	shalt  }
0x6a: {  	_ =	shalt  }
0x6b: {  	_ =	shalt  }
0x6c: {  	_ =	shalt  }
0x6d: {  	_ =	shalt  }
0x6e: {  	_ =	shalt  }
0x6f: {  	_ =	shalt  }
0x70: {  	_ =	shalt  }
0x71: {  	_ =	shalt  }
0x72: {  	_ =	shalt  }
0x73: {  	_ =	shalt  }
0x74: {  	_ =	shalt  }
0x75: {  	_ =	shalt  }
0x76: {  	_ =	shalt  }
0x77: {  	_ =	shalt  }
0x78: {  	_ =	shalt  }
0x79: {  	_ =	shalt  }
0x7a: {  	_ =	shalt  }
0x7b: {  	_ =	shalt  }
0x7c: {  	_ =	shalt  }
0x7d: {  	_ =	shalt  }
0x7e: {  	_ =	shalt  }
0x7f: {  	_ =	shalt  }
0x80: {  	_ =	shalt  }
0x81: {  	_ =	shalt  }
0x82: {  	_ =	shalt  }
0x83: {  	_ =	shalt  }
0x84: {  	_ =	shalt  }
0x85: {  	_ =	shalt  }
0x86: {  	_ =	shalt  }
0x87: {  	_ =	shalt  }
.Lfunc_end0:
.L_simem_size_0:
called_computation_lowered:
.L_overlay_start_0:
0x88: {  	s2 =	sld [smem:$0x3FD9]  }
0x89: {  	s3 =	sld [smem:$0x3FFE];
	_ =	sdelay $0x1  }
0x8a: {  	s1 =	srdreg.scid  }
0x8b: {  	s0 =	sand.u32 $0x1, s1  }
0x8c: {  	s17 =	sshll.u32 s0, $0xA;
	s2 =	sadd.s32 s3, s2  }
0x8d: {  	s2 =	sadd.s32 s2, s17  }
0x8e: {  	[smem:$0x3FC7] =	sst s2  }
0x8f: {  	_ = 	snop  }
0x90: {  	s2 =	sld [smem:$0x3FC9];
	(tm) =	ssettm $0x1  }
0x91: {  	s18 =	sld [smem:$0x3FFB];
	_ =	sdelay $0x3  }
0x92: {  	_ =	strace s18  }
0x93: {  	s3 =	sld [smem:$0x3FFC];
	_ =	sdelay $0x3  }
0x94: {  	_ =	strace s3  }
0x95: {  	s3 =	sld [smem:$0x3FFD];
	_ =	sdelay $0x3  }
0x96: {  	_ =	strace s3  }
0x97: {  	_ =	strace $0x8FFFFFFF  }
0x98: {  	s19 =	sld [smem:$0x3FDB];
	_ =	sdelay $0x1  }
0x99: {  	s4 =	simm.s32 $_scs_section_size  }
0x9a: {  	s5 =	simm.s32 $_size__tile_overlayer_lowered;
	s6 =	simm.s32 $_tile_overlayer_lowered  }
0x9b: {  	s22 =	simm.s32 $0x1BFF;
	s21 =	sshll.u32 s6, $0x1;
	s3 =	sadd.s32 s4, s19  }
0x9c: {  	s7 =	simm.s32 $0x0;
	s20 =	sshll.u32 s5, $0x1;
	s5 =	sadd.s32 s21, s3  }
0x9d: {  	[timem:s7], [sflag:s22] =	dma.local [hbm:s5], s20  }
0x9e: {  	_ =	swait.ge [sflag:s22], s20  }
0x9f: {  	s4 =	ssub.s32 $0x0, s20;
	[sflag:s22] =	ssyncset.done $0x0  }
0xa0: {  	[sflag:s22] =	ssyncadd.s32 s4;
	_ =	sdelay $0x1  }
0xa1: {  	s23 =	simm.s32 $0x1B8B  }
0xa2: {  	_ =	swait.ge [sflag:s23], $0x1  }
0xa3: {  	[sflag:s23] =	ssyncset.done $0x0  }
0xa4: {  	s25 =	simm.s32 $0x1B8E;
	s24 =	sld [smem:$0x3FFE];
	[sflag:s23] =	ssyncadd.s32 $0xFFFFFFFF  }
0xa5: {  	s26 =	simm.s32 $execute0_lowered;
	[smem:$0x3FD2] =	sst s25  }
0xa6: {  	s5 =	sshll.u32 s26, $0x1;
	_ =	strace $0x80000046;
	[dreg:$0x1] =	wrdreg $0xFFFFFFFF  }
0xa7: {  	s28 =	simm.s32 $_size_execute0_lowered;
	s3 =	sadd.s32 s3, s5;
	[dreg:$0x0] =	wrdreg $0x0  }
0xa8: {  	s5 =	sshll.u32 s28, $0x1;
	[dreg:$0x2] =	wrdreg s3  }
0xa9: {  	[dreg:$0x3] =	wrdreg s5  }
0xaa: {  	[dreg:$0x4] =	wrdreg $0xC0  }
0xab: {  	_ =	task [dreg:s7], $0x5FFFF  }
0xac: {  	[dreg:$0x1] =	wrdreg $0xFFFFFFFF  }
0xad: {  	[dreg:$0x0] =	wrdreg $0x60  }
0xae: {  	[dreg:$0x2] =	wrdreg s2  }
0xaf: {  	[dreg:$0x3] =	wrdreg s24  }
0xb0: {  	[dreg:$0x4] =	wrdreg $0x9  }
0xb1: {  	_ =	task.clear_ibuf [dreg:s7], $0x5FFFF;
	_ =	strace $0x90000046  }
0xb2: {  	s29 =	simm.s32 $0x9;
	_ =	strace $0x80000048  }
0xb3: {  	_ =	swait.ge [sflag:s29], $0x1  }
0xb4: {  	[sflag:s29] =	ssyncadd.s32 $0xFFFFFFFF  }
0xb5: {  	_ =	strace $0x90000048  }
0xb6: {  	_ =	sfence  }
0xb7: {  	s30 =	sld [smem:$0x0];
	_ =	sdelay $0x2  }
0xb8: {  	s31 =	sshll.u32 s1, $0xD;
	s1 =	sshrl.u32 s1, $0x2  }
0xb9: {  	s3 =	sand.u32 $0x4000, s31;
	s1 =	sadd.s32 s1, s30  }
0xba: {  	s0 =	sor.u32 s3, s0;
	s1 =	sshll.u32 s1, $0x11  }
0xbb: {  	s0 =	sor.u32 s1, s0  }
0xbc: {  	s0 =	sadd.s32 $0x8F2B, s0  }
0xbd: {  	[sflag:s0] =	ssyncadd.remote.s32 $0x1  }
0xbe: {  	_ =	sfence.sel $0xFFFF  }
0xbf: {  	[dreg:$0x0] =	wrdreg $0xFFFFFFFF;
	(pc) =	sbr.abs _section_cstart, $3  }
0xc0: {  	[dreg:$0x1] =	wrdreg $0xFFFFFFFF  }
0xc1: {  	_ =	task.clear_ibuf [dreg:s7], $0x2FFFF;
	_ =	strace $0x9FFFFFFF  }
0xc2: {  	(tm) =	ssettm $0x7FFFFFFF  }
0xc3: {  	_ =	shalt  }
tec
execute0_lowered:
.L_overlay_start_1:
0x0: {  	(tag) =	ssettag $0x1  }
0x1: {  	s1 =	rddreg [dreg:$0x0]  }
0x2: {  	s4 =	rddreg [dreg:$0x1]  }
0x3: {  	s0 =	rddreg [dreg:$0x2];
	s5 =	srdreg.scid;
	s3 =	simm.s32 $0x0  }
0x4: {  	s2 =	stileid.u32;
	s12 =	simm.s32 $0x3;
	s13 =	simm.s32 $0x2  }
0x5: {  	s14 =	simm.s32 $0x0;
	s5 =	sand.u32 $0x1, s5;
	[smem:$0x7FF] =	sst s3  }
0x6: {  	s7 =	sshll.u32 s2, $0xA;
	s10 =	sshll.u32 s2, $0x12;
	s28 =	sshll.u32 s2, $0x3  }
0x7: {  	s6 =	sshll.u32 s5, $0x9;
	_ =	strace $0x80000047;
	s8 =	ssub.s32 $0x2, s5  }
0x8: {  	s11 =	sshll.u32 s5, $0x2;
	s7 =	sor.u32 s6, s7;
	s9 =	sshrl.u32 s8, $0x1  }
0x9: {  	s26 =	sor.u32 s6, s10;
	s10 =	simm.s32 $0x1;
	s7 =	sshrl.u32 s7, $0x3  }
.Ltmp0:
0xa: {  	s8 =	ssub.s32 s8, s9;
	s29 =	sshrl.u32 s26, $0x3;
	(pc) =	sbr.rel .LBB2_1-.Ltmp0, $4  }
0xb: {  	s30 =	sor.u32 $0x480, s26;
	s9 =	sor.u32 $0x80, s26;
	s7 =	sadd.s32 s7, s4  }
0xc: {  	s4 =	sadd.s32 s1, s29;
	s6 =	smax.u32 s8, $0x1;
	s31 =	sshrl.u32 s30, $0x3  }
0xd: {  	s9 =	sshrl.u32 s9, $0x3;
	s5 =	sadd.s32 $0x400, s7;
	s7 =	sor.u32 s11, s28  }
0xe: {  	v0 =	vimm.s32 $0x0;
	v1 =	vlaneseq.u32;
	s8 =	sadd.s32 s31, s1;
	s9 =	sadd.s32 s9, s1;
	s11 =	simm.s32 $0x11380  }
.LBB2_14:
0xf: {  	_ =	swait.ge [sflag:s10], $0x8000;
	s14 =	sadd.s32 $0x1, s14  }
0x10: {  	[sflag:s10] =	ssyncset.done $0x0;
	p0 =	sne.s32 s14, s6  }
.Ltmp1:
0x11: {  	[sflag:s10] =	ssyncadd.s32 $0xFFFF8000;
	(pc) =	sbr.rel @!p0 .LBB2_15-.Ltmp1, $4  }
0x12: {  	[hbm4b:s5+s3] =	stream.linear.scatter [tilespmem:s11], [sflag:$0x3], $0x200, $0x38;
	[tilespmem:$0x11580] =	vst v63  }
0x13: {  	_ =	swait.ge [sflag:s12], $0x200  }
0x14: {  	[sflag:s12] =	ssyncset.done $0x0  }
0x15: {  	[sflag:s12] =	ssyncadd.s32 $0xFFFFFE00  }
.LBB2_1:
0x16: {  	[tilespmem:$0x11080] =	vst v0  }
0x17: {  	[tilespmem:$0x11090] =	vst v0  }
0x18: {  	[tilespmem:$0x110A0] =	vst v0  }
0x19: {  	[tilespmem:$0x110B0] =	vst v0  }
0x1a: {  	[tilespmem:$0x110C0] =	vst v0  }
0x1b: {  	[tilespmem:$0x110D0] =	vst v0  }
0x1c: {  	[tilespmem:$0x110E0] =	vst v0  }
0x1d: {  	[tilespmem:$0x110F0] =	vst v0  }
0x1e: {  	[tilespmem:$0x11100] =	vst v0  }
0x1f: {  	[tilespmem:$0x11110] =	vst v0  }
0x20: {  	[tilespmem:$0x11120] =	vst v0  }
0x21: {  	[tilespmem:$0x11130] =	vst v0  }
0x22: {  	[tilespmem:$0x11140] =	vst v0  }
0x23: {  	[tilespmem:$0x11150] =	vst v0  }
0x24: {  	[tilespmem:$0x11160] =	vst v0  }
0x25: {  	[tilespmem:$0x11170] =	vst v0  }
0x26: {  	[tilespmem:$0x11180] =	vst v0  }
0x27: {  	[tilespmem:$0x11190] =	vst v0  }
0x28: {  	[tilespmem:$0x111A0] =	vst v0  }
0x29: {  	[tilespmem:$0x111B0] =	vst v0  }
0x2a: {  	[tilespmem:$0x111C0] =	vst v0  }
0x2b: {  	[tilespmem:$0x111D0] =	vst v0  }
0x2c: {  	[tilespmem:$0x111E0] =	vst v0  }
0x2d: {  	[tilespmem:$0x111F0] =	vst v0  }
0x2e: {  	[tilespmem:$0x11200] =	vst v0  }
0x2f: {  	[tilespmem:$0x11210] =	vst v0  }
0x30: {  	[tilespmem:$0x11220] =	vst v0  }
0x31: {  	[tilespmem:$0x11230] =	vst v0  }
0x32: {  	[tilespmem:$0x11240] =	vst v0  }
0x33: {  	[tilespmem:$0x11250] =	vst v0  }
0x34: {  	[tilespmem:$0x11260] =	vst v0  }
0x35: {  	[tilespmem:$0x11270] =	vst v0  }
0x36: {  	[tilespmem:$0x11280] =	vst v0  }
0x37: {  	[tilespmem:$0x11290] =	vst v0  }
0x38: {  	[tilespmem:$0x112A0] =	vst v0  }
0x39: {  	[tilespmem:$0x112B0] =	vst v0  }
0x3a: {  	[tilespmem:$0x112C0] =	vst v0  }
0x3b: {  	[tilespmem:$0x112D0] =	vst v0  }
0x3c: {  	[tilespmem:$0x112E0] =	vst v0  }
0x3d: {  	[tilespmem:$0x112F0] =	vst v0  }
0x3e: {  	[tilespmem:$0x11300] =	vst v0  }
0x3f: {  	[tilespmem:$0x11310] =	vst v0  }
0x40: {  	[tilespmem:$0x11320] =	vst v0  }
0x41: {  	[tilespmem:$0x11330] =	vst v0  }
0x42: {  	[tilespmem:$0x11340] =	vst v0  }
0x43: {  	[tilespmem:$0x11350] =	vst v0  }
0x44: {  	[tilespmem:$0x11360] =	vst v0  }
0x45: {  	[tilespmem:$0x11370] =	vst v0;
	s15 =	simm.s32 $0x40;
	s16 =	simm.s32 $0x0  }
.LBB2_2:
0x46: {  	p0 =	sne.s32 s15, $0x1FC0;
	[tilespmem:s16+$0x10880] =	vst v0;
	s16 =	smov.u32 s15;
	s15 =	sadd.s32 $0x40, s15  }
.Ltmp2:
0x47: {  	(pc) =	sbr.rel @p0 .LBB2_2-.Ltmp2, $2  }
0x48: {  	_ =	sdelay $0x2  }
0x49: {  	s16 =	sshra.s32 s16, $0x2  }
0x4a: {  	[tilespmem:s16+$0x10880] =	vst v0  }
0x4b: {  	[tilespmem:$0x10800] =	vst v0  }
0x4c: {  	[tilespmem:$0x10810] =	vst v0  }
0x4d: {  	[tilespmem:$0x10820] =	vst v0  }
0x4e: {  	[tilespmem:$0x10830] =	vst v0  }
0x4f: {  	[tilespmem:$0x10840] =	vst v0  }
0x50: {  	[tilespmem:$0x10850] =	vst v0  }
0x51: {  	s15 =	simm.s32 $0x0;
	s16 =	simm.s32 $0x80;
	[tilespmem:$0x10860] =	vst v0  }
0x52: {  	s19 =	sadd.s32 $0x0, s4;
	s17 =	simm.s32 $0x100;
	s18 =	simm.s32 $0x0;
	[tilespmem:$0x10870] =	vst v0  }
.LBB2_4:
0x53: {  	[tilespmem:s18], [sflag:$0x1] =	stream.linear.gather [hbm4b:s19+s15], $0x80, $0x38;
	[tilespmem:$0x11580] =	vst v63  }
0x54: {  	s19 =	smov.u32 s16;
	s18 =	smov.u32 s17;
	p0 =	sne.s32 s16, $0x7F80  }
.Ltmp3:
0x55: {  	s16 =	sadd.s32 $0x80, s16;
	(pc) =	sbr.rel @p0 .LBB2_4-.Ltmp3, $2  }
0x56: {  	_ =	sdelay $0x2  }
0x57: {  	s17 =	sadd.s32 $0x100, s17;
	s19 =	sadd.s32 s19, s4  }
.Ltmp4:
0x58: {  	(pc) =	sbr.rel .LBB2_6-.Ltmp4, $3  }
0x59: {  	_ =	sdelay $0x1  }
0x5a: {  	[tilespmem:s18], [sflag:$0x1] =	stream.linear.gather [hbm4b:s19+s15], $0x80, $0x38;
	[tilespmem:$0x11580] =	vst v63  }
0x5b: {  	s16 =	smov.u32 s9;
	s17 =	smov.u32 s8;
	s18 =	smov.u32 s7  }
.LBB2_12:
0x5c: {  	v3 =	vld [tilespmem:s22+$0x90]  }
0x5d: {  	v4 =	vld [tilespmem:s22+$0xA0]  }
0x5e: {  	v5 =	vld [tilespmem:s22+$0xB0]  }
0x5f: {  	v6 =	vld [tilespmem:s22+$0xC0]  }
0x60: {  	v7 =	vld [tilespmem:s22+$0xD0]  }
0x61: {  	v2 =	vmax.f32 v2, v3;
	v3 =	vld [tilespmem:s22+$0xE0]  }
0x62: {  	v56 =	vld [tilespmem:s22+$0xF0];
	v2 =	vmax.f32 v2, v4  }
0x63: {  	v57 =	vld [tilespmem:s22+$0x180];
	v2 =	vmax.f32 v2, v5  }
0x64: {  	v58 =	vld [tilespmem:s22+$0x190];
	v2 =	vmax.f32 v2, v6  }
0x65: {  	v59 =	vld [tilespmem:s22+$0x1A0];
	v2 =	vmax.f32 v2, v7  }
0x66: {  	v2 =	vmax.f32 v2, v3;
	v3 =	vld [tilespmem:s22+$0x1B0]  }
0x67: {  	v60 =	vld [tilespmem:s22+$0x1C0];
	v2 =	vmax.f32 v2, v56  }
0x68: {  	v61 =	vld [tilespmem:s22+$0x1D0];
	v2 =	vmax.f32 v2, v57  }
0x69: {  	v62 =	vld [tilespmem:s22+$0x1E0];
	v2 =	vmax.f32 v2, v58  }
0x6a: {  	v63 =	vld [tilespmem:s22+$0x1F0];
	v2 =	vmax.f32 v2, v59  }
0x6b: {  	v2 =	vmax.f32 v2, v3  }
0x6c: {  	v2 =	vmax.f32 v2, v60  }
0x6d: {  	v2 =	vmax.f32 v2, v61  }
0x6e: {  	v2 =	vmax.f32 v2, v62  }
0x6f: {  	s19 =	sadd.s32 $0x10, s19;
	v2 =	vmax.f32 v2, v63  }
0x70: {  	s21 =	sadd.s32 $0x100, s21;
	[tilespmem:s19+$0x0] =	vst v2  }
0x71: {  	[tilespmem:s22], [sflag:$0x1] =	stream.linear.gather [hbm4b:s21+s3], $0x80, $0x38;
	[tilespmem:$0x11580] =	vst v63  }
0x72: {  	s31 =	sadd.s32 $0x100, s22;
	s20 =	sadd.s32 $0x100, s20  }
0x73: {  	[tilespmem:s31], [sflag:$0x1] =	stream.linear.gather [hbm4b:s20+s3], $0x80, $0x38;
	[tilespmem:$0x11580] =	vst v63  }
.LBB2_13:
0x74: {  	s19 =	sshll.u32 s15, $0x7;
	s15 =	sadd.s32 $0x1, s15  }
0x75: {  	p0 =	sne.s32 s15, $0x4  }
.Ltmp5:
0x76: {  	_ = 	snop;
	(pc) =	sbr.rel @!p0 .LBB2_14-.Ltmp5, $3  }
0x77: {  	_ =	sdelay $0x1  }
0x78: {  	s19 =	sand.u32 $0x3FFFFF80, s19  }
0x79: {  	s18 =	sadd.s32 $0x1, s18;
	s17 =	sadd.s32 $0x10, s17;
	s16 =	sadd.s32 $0x10, s16;
	[tilespmem:s19+$0x11380] =	vst v1  }
.LBB2_6:
0x7a: {  	s19 =	sand.u32 $0x1, s15  }
0x7b: {  	p0 =	seq.s32 s19, $0x1  }
.Ltmp6:
0x7c: {  	_ = 	snop;
	(pc) =	sbr.rel @p0 .LBB2_10-.Ltmp6, $1  }
0x7d: {  	_ =	sdelay $0x3  }
0x7e: {  	_ =	swait.ge [sflag:s10], $0x8000  }
0x7f: {  	[sflag:s10] =	ssyncset.done $0x0  }
0x80: {  	s19 =	simm.s32 $0x0;
	[sflag:s10] =	ssyncadd.s32 $0xFFFF8000  }
0x81: {  	v2 =	vld [tilespmem:s19+$0x0]  }
0x82: {  	v3 =	vld [tilespmem:s19+$0x10]  }
0x83: {  	v4 =	vld [tilespmem:s19+$0x20]  }
0x84: {  	v5 =	vld [tilespmem:s19+$0x30]  }
0x85: {  	v6 =	vld [tilespmem:s19+$0x40]  }
0x86: {  	v7 =	vld [tilespmem:s19+$0x50]  }
0x87: {  	v2 =	vmax.f32 v2, v3;
	v3 =	vld [tilespmem:s19+$0x60]  }
0x88: {  	v56 =	vld [tilespmem:s19+$0x70];
	v2 =	vmax.f32 v2, v4  }
0x89: {  	v57 =	vld [tilespmem:s19+$0x100];
	v2 =	vmax.f32 v2, v5  }
0x8a: {  	v58 =	vld [tilespmem:s19+$0x110];
	v2 =	vmax.f32 v2, v6  }
0x8b: {  	v59 =	vld [tilespmem:s19+$0x120];
	v2 =	vmax.f32 v2, v7  }
0x8c: {  	v2 =	vmax.f32 v2, v3;
	v3 =	vld [tilespmem:s19+$0x130]  }
0x8d: {  	v60 =	vld [tilespmem:s19+$0x140];
	v2 =	vmax.f32 v2, v56  }
0x8e: {  	v61 =	vld [tilespmem:s19+$0x150];
	v2 =	vmax.f32 v2, v57  }
0x8f: {  	v62 =	vld [tilespmem:s19+$0x160];
	v2 =	vmax.f32 v2, v58  }
0x90: {  	v63 =	vld [tilespmem:s19+$0x170];
	v2 =	vmax.f32 v2, v59  }
0x91: {  	v2 =	vmax.f32 v2, v3  }
0x92: {  	v2 =	vmax.f32 v2, v60  }
0x93: {  	v2 =	vmax.f32 v2, v61  }
0x94: {  	v2 =	vmax.f32 v2, v62  }
0x95: {  	s19 =	simm.s32 $0x10000;
	v2 =	vmax.f32 v2, v63  }
0x96: {  	s20 =	simm.s32 $0x80;
	[tilespmem:s19+$0x0] =	vst v2  }
0x97: {  	[tilespmem:s20], [sflag:$0x2] =	stream.linear.gather [hbm4b:s16+s3], $0x80, $0x38;
	[tilespmem:$0x11580] =	vst v63  }
0x98: {  	s31 =	simm.s32 $0x180;
	s20 =	simm.s32 $0x200  }
0x99: {  	[tilespmem:s31], [sflag:$0x2] =	stream.linear.gather [hbm4b:s17+s3], $0x80, $0x38;
	[tilespmem:$0x11580] =	vst v63  }
0x9a: {  	s23 =	simm.s32 $0x1000;
	s22 =	smov.u32 s16;
	s21 =	smov.u32 s17;
	v2 =	vld [tilespmem:s20+$0x0]  }
.LBB2_8:
0x9b: {  	p0 =	seq.s32 s23, $0x3F800;
	v3 =	vld [tilespmem:s20+$0x10]  }
0x9c: {  	v4 =	vld [tilespmem:s20+$0x20]  }
0x9d: {  	v5 =	vld [tilespmem:s20+$0x30]  }
0x9e: {  	v6 =	vld [tilespmem:s20+$0x40]  }
0x9f: {  	v7 =	vld [tilespmem:s20+$0x50]  }
0xa0: {  	v2 =	vmax.f32 v2, v3;
	v3 =	vld [tilespmem:s20+$0x60]  }
0xa1: {  	v2 =	vmax.f32 v2, v4;
	v4 =	vld [tilespmem:s20+$0x70]  }
0xa2: {  	v2 =	vmax.f32 v2, v5;
	v5 =	vld [tilespmem:s20+$0x100]  }
0xa3: {  	v2 =	vmax.f32 v2, v6;
	v6 =	vld [tilespmem:s20+$0x110]  }
0xa4: {  	v2 =	vmax.f32 v2, v7;
	v7 =	vld [tilespmem:s20+$0x120]  }
0xa5: {  	v2 =	vmax.f32 v2, v3;
	v3 =	vld [tilespmem:s20+$0x130]  }
0xa6: {  	v2 =	vmax.f32 v2, v4;
	v4 =	vld [tilespmem:s20+$0x140]  }
0xa7: {  	v2 =	vmax.f32 v2, v5;
	v5 =	vld [tilespmem:s20+$0x150]  }
0xa8: {  	v2 =	vmax.f32 v2, v6;
	v6 =	vld [tilespmem:s20+$0x160]  }
0xa9: {  	v2 =	vmax.f32 v2, v7;
	v7 =	vld [tilespmem:s20+$0x170]  }
0xaa: {  	v2 =	vmax.f32 v2, v3  }
0xab: {  	v2 =	vmax.f32 v2, v4  }
0xac: {  	v2 =	vmax.f32 v2, v5  }
0xad: {  	s24 =	sadd.s32 $0x80, s20;
	v2 =	vmax.f32 v2, v6  }
.Ltmp7:
0xae: {  	s19 =	sadd.s32 $0x10, s19;
	s22 =	sadd.s32 $0x100, s22;
	v2 =	vmax.f32 v2, v7;
	(pc) =	sbr.rel @!p0 .LBB2_8-.Ltmp7, $4  }
0xaf: {  	[tilespmem:s19+$0x0] =	vst v2;
	[tilespmem:s24], [sflag:$0x2] =	stream.linear.gather [hbm4b:s22+s3], $0x80, $0x38  }
0xb0: {  	s21 =	sadd.s32 $0x100, s21;
	s24 =	sadd.s32 $0x180, s20;
	s20 =	sshra.s32 s23, $0x2  }
0xb1: {  	[tilespmem:s24], [sflag:$0x2] =	stream.linear.gather [hbm4b:s21+s3], $0x80, $0x38;
	[tilespmem:$0x11580] =	vst v63  }
0xb2: {  	s23 =	sadd.s32 $0x800, s23;
	v2 =	vld [tilespmem:s20+$0x0]  }
0xb3: {  	v3 =	vld [tilespmem:s20+$0x10]  }
0xb4: {  	v4 =	vld [tilespmem:s20+$0x20]  }
0xb5: {  	v5 =	vld [tilespmem:s20+$0x30]  }
0xb6: {  	v6 =	vld [tilespmem:s20+$0x40]  }
0xb7: {  	v7 =	vld [tilespmem:s20+$0x50]  }
0xb8: {  	v2 =	vmax.f32 v2, v3;
	v3 =	vld [tilespmem:s20+$0x60]  }
0xb9: {  	v56 =	vld [tilespmem:s20+$0x70];
	v2 =	vmax.f32 v2, v4  }
0xba: {  	v57 =	vld [tilespmem:s20+$0x100];
	v2 =	vmax.f32 v2, v5  }
0xbb: {  	v58 =	vld [tilespmem:s20+$0x110];
	v2 =	vmax.f32 v2, v6  }
0xbc: {  	v59 =	vld [tilespmem:s20+$0x120];
	v2 =	vmax.f32 v2, v7  }
0xbd: {  	v2 =	vmax.f32 v2, v3;
	v3 =	vld [tilespmem:s20+$0x130]  }
0xbe: {  	v60 =	vld [tilespmem:s20+$0x140];
	v2 =	vmax.f32 v2, v56  }
0xbf: {  	v61 =	vld [tilespmem:s20+$0x150];
	v2 =	vmax.f32 v2, v57  }
0xc0: {  	v62 =	vld [tilespmem:s20+$0x160];
	v2 =	vmax.f32 v2, v58  }
0xc1: {  	v63 =	vld [tilespmem:s20+$0x170];
	v2 =	vmax.f32 v2, v59  }
0xc2: {  	v2 =	vmax.f32 v2, v3  }
0xc3: {  	v2 =	vmax.f32 v2, v60  }
0xc4: {  	v2 =	vmax.f32 v2, v61  }
0xc5: {  	v2 =	vmax.f32 v2, v62  }
.Ltmp8:
0xc6: {  	s19 =	sadd.s32 $0x10, s19;
	v2 =	vmax.f32 v2, v63;
	(pc) =	sbr.rel .LBB2_13-.Ltmp8, $4  }
0xc7: {  	s23 =	sadd.s32 $0x80, s20;
	s22 =	sadd.s32 $0x100, s22;
	[tilespmem:s19+$0x0] =	vst v2  }
0xc8: {  	[tilespmem:s23], [sflag:$0x2] =	stream.linear.gather [hbm4b:s22+s3], $0x80, $0x38;
	[tilespmem:$0x11580] =	vst v63  }
0xc9: {  	s30 =	sadd.s32 $0x180, s20;
	s31 =	sadd.s32 $0x100, s21  }
0xca: {  	[tilespmem:s30], [sflag:$0x2] =	stream.linear.gather [hbm4b:s31+s3], $0x80, $0x38;
	[tilespmem:$0x11580] =	vst v63  }
.LBB2_10:
0xcb: {  	_ =	swait.ge [sflag:s13], $0x8000  }
0xcc: {  	[sflag:s13] =	ssyncset.done $0x0  }
0xcd: {  	s20 =	simm.s32 $0x0;
	[sflag:s13] =	ssyncadd.s32 $0xFFFF8000  }
0xce: {  	v2 =	vld [tilespmem:s20+$0x80]  }
0xcf: {  	v3 =	vld [tilespmem:s20+$0x90]  }
0xd0: {  	v4 =	vld [tilespmem:s20+$0xA0]  }
0xd1: {  	v5 =	vld [tilespmem:s20+$0xB0]  }
0xd2: {  	v6 =	vld [tilespmem:s20+$0xC0]  }
0xd3: {  	v7 =	vld [tilespmem:s20+$0xD0]  }
0xd4: {  	v2 =	vmax.f32 v2, v3;
	v3 =	vld [tilespmem:s20+$0xE0]  }
0xd5: {  	v56 =	vld [tilespmem:s20+$0xF0];
	v2 =	vmax.f32 v2, v4  }
0xd6: {  	v57 =	vld [tilespmem:s20+$0x180];
	v2 =	vmax.f32 v2, v5  }
0xd7: {  	v58 =	vld [tilespmem:s20+$0x190];
	v2 =	vmax.f32 v2, v6  }
0xd8: {  	v59 =	vld [tilespmem:s20+$0x1A0];
	v2 =	vmax.f32 v2, v7  }
0xd9: {  	v2 =	vmax.f32 v2, v3;
	v3 =	vld [tilespmem:s20+$0x1B0]  }
0xda: {  	v60 =	vld [tilespmem:s20+$0x1C0];
	v2 =	vmax.f32 v2, v56  }
0xdb: {  	v61 =	vld [tilespmem:s20+$0x1D0];
	v2 =	vmax.f32 v2, v57  }
0xdc: {  	p0 =	slt.s32 s18, $0x7E;
	s19 =	smov.u32 s18;
	v62 =	vld [tilespmem:s20+$0x1E0];
	v2 =	vmax.f32 v2, v58  }
0xdd: {  	s19 =	simm.s32 @!p0 $0x7E;
	v63 =	vld [tilespmem:s20+$0x1F0];
	v2 =	vmax.f32 v2, v59  }
0xde: {  	s21 =	sshll.u32 s19, $0xF;
	s19 =	sadd.s32 $0x1, s19;
	v2 =	vmax.f32 v2, v3  }
0xdf: {  	s21 =	sadd.s32 $0x8000, s21;
	s19 =	sand.u32 $0x7, s19;
	v2 =	vmax.f32 v2, v60  }
0xe0: {  	s21 =	sand.u32 $0x7FFC0000, s21;
	s19 =	sshll.u32 s19, $0x7;
	v2 =	vmax.f32 v2, v61  }
0xe1: {  	s19 =	sor.u32 s19, s21;
	v2 =	vmax.f32 v2, v62  }
0xe2: {  	s21 =	sor.u32 $0x400, s19;
	s22 =	sshrl.u32 s19, $0x3;
	s19 =	simm.s32 $0x10000;
	v2 =	vmax.f32 v2, v63  }
0xe3: {  	s23 =	sshrl.u32 s21, $0x3;
	s21 =	sadd.s32 s22, s1;
	[tilespmem:s19+$0x0] =	vst v2  }
0xe4: {  	[tilespmem:s20], [sflag:$0x1] =	stream.linear.gather [hbm4b:s21+s3], $0x80, $0x38;
	[tilespmem:$0x11580] =	vst v63  }
0xe5: {  	s31 =	simm.s32 $0x100;
	s22 =	simm.s32 $0x200;
	s20 =	sadd.s32 s23, s1  }
0xe6: {  	[tilespmem:s31], [sflag:$0x1] =	stream.linear.gather [hbm4b:s20+s3], $0x80, $0x38;
	[tilespmem:$0x11580] =	vst v63  }
0xe7: {  	s23 =	simm.s32 $0x1000;
	v2 =	vld [tilespmem:s22+$0x80]  }
.LBB2_11:
0xe8: {  	p0 =	sne.s32 s23, $0x3F800;
	v3 =	vld [tilespmem:s22+$0x90]  }
0xe9: {  	v4 =	vld [tilespmem:s22+$0xA0]  }
0xea: {  	v5 =	vld [tilespmem:s22+$0xB0]  }
0xeb: {  	v6 =	vld [tilespmem:s22+$0xC0]  }
0xec: {  	v7 =	vld [tilespmem:s22+$0xD0]  }
0xed: {  	v2 =	vmax.f32 v2, v3;
	v3 =	vld [tilespmem:s22+$0xE0]  }
0xee: {  	v2 =	vmax.f32 v2, v4;
	v4 =	vld [tilespmem:s22+$0xF0]  }
0xef: {  	v2 =	vmax.f32 v2, v5;
	v5 =	vld [tilespmem:s22+$0x180]  }
0xf0: {  	v2 =	vmax.f32 v2, v6;
	v6 =	vld [tilespmem:s22+$0x190]  }
0xf1: {  	v2 =	vmax.f32 v2, v7;
	v7 =	vld [tilespmem:s22+$0x1A0]  }
0xf2: {  	v2 =	vmax.f32 v2, v3;
	v3 =	vld [tilespmem:s22+$0x1B0]  }
0xf3: {  	v2 =	vmax.f32 v2, v4;
	v4 =	vld [tilespmem:s22+$0x1C0]  }
0xf4: {  	v2 =	vmax.f32 v2, v5;
	v5 =	vld [tilespmem:s22+$0x1D0]  }
0xf5: {  	v2 =	vmax.f32 v2, v6;
	v6 =	vld [tilespmem:s22+$0x1E0]  }
0xf6: {  	v2 =	vmax.f32 v2, v7;
	v7 =	vld [tilespmem:s22+$0x1F0]  }
0xf7: {  	v2 =	vmax.f32 v2, v3  }
0xf8: {  	v2 =	vmax.f32 v2, v4  }
0xf9: {  	v2 =	vmax.f32 v2, v5  }
0xfa: {  	v2 =	vmax.f32 v2, v6  }
.Ltmp9:
0xfb: {  	s19 =	sadd.s32 $0x10, s19;
	s21 =	sadd.s32 $0x100, s21;
	v2 =	vmax.f32 v2, v7;
	(pc) =	sbr.rel @p0 .LBB2_11-.Ltmp9, $4  }
0xfc: {  	[tilespmem:s19+$0x0] =	vst v2;
	[tilespmem:s22], [sflag:$0x1] =	stream.linear.gather [hbm4b:s21+s3], $0x80, $0x38  }
0xfd: {  	s24 =	sadd.s32 $0x100, s22;
	s20 =	sadd.s32 $0x100, s20;
	s22 =	sshra.s32 s23, $0x2  }
0xfe: {  	[tilespmem:s24], [sflag:$0x1] =	stream.linear.gather [hbm4b:s20+s3], $0x80, $0x38;
	[tilespmem:$0x11580] =	vst v63  }
0xff: {  	s23 =	sadd.s32 $0x800, s23;
	v2 =	vld [tilespmem:s22+$0x80]  }
.Ltmp10:
0x100: {  	_ = 	snop;
	(pc) =	sbr.rel .LBB2_12-.Ltmp10, $1  }
0x101: {  	_ =	sdelay $0x3  }
.LBB2_15:
0x102: {  	_ =	sfence.sel $0x180000  }
0x103: {  	[bflag:$0x0] =	sbarrier.arrive $0xFFFF  }
0x104: {  	p0 =	sne.s32 s2, $0x0;
	_ =	strace $0x90000047  }
0x105: {  	s0 =	sadd.s32 @!p0 $0x100000, s0;
	[bflag:$0x2] =	sbarrier.arrive $0xFFFF  }
0x106: {  	[sflag:s0] =	ssyncadd.tile.s32 @!p0 $0x1;
	_ =	shalt  }
.Lfunc_end2:
_tile_overlayer_lowered:
.L_overlay_start_2:
0x107: {  	(tag) =	ssettag $0x2  }
0x108: {  	s0 =	rddreg [dreg:$0x0];
	s2 =	stileid.u32  }
0x109: {  	s1 =	rddreg [dreg:$0x1];
	p0 =	sne.s32 s2, $0x0  }
0x10a: {  	s3 =	rddreg [dreg:$0x2];
	[bflag:$0x3] =	sbarrier.arrive $0xFFFF;
	s2 =	simm.s32 @!p0 $0x1C03  }
0x10b: {  	[timem:s3], [sflag:s2] =	dma.local @!p0 [hbm:s0], s1  }
0x10c: {  	s0 =	simm.s32 @!p0 $0x3  }
0x10d: {  	_ =	swait.ge @!p0 [sflag:s0], s1  }
0x10e: {  	s1 =	ssub.s32 @!p0 $0x0, s1;
	[sflag:s0] =	ssyncset.done @!p0 $0x0  }
0x10f: {  	[sflag:s0] =	ssyncadd.s32 @!p0 s1  }
0x110: {  	[bflag:$0x3] =	sbarrier.arrive $0xFFFF  }
0x111: {  	_ =	shalt  }

</sc_bundles>
